<compile_context>
chip_gen: v7x
topology: tpu7x:2x2x1
jax: 0.10.2.dev20260603
libtpu: 0.0.44.dev20260713+nightly
codegen_flags: <defaults>
</compile_context>

<pallas_src>
import functools

import jax
import jax.numpy as jnp
from jax import lax
from jax.experimental import pallas as pl
from jax.experimental.pallas import tpu as pltpu
from jax.experimental.pallas import tpu_sc as plsc

_NUM_CORES = 2
_NUM_SUBCORES = 16
_NW = _NUM_CORES * _NUM_SUBCORES

_D = 128
_CHUNK = 40
_NB = 8


@functools.partial(jax.jit, static_argnames=("n_edges",))
def _sc_gather(x, src, *, n_edges):
    per_w = n_edges // _NW
    n_full = per_w // _CHUNK
    tail_c = per_w - n_full * _CHUNK
    n_rounds = n_full // _NB
    assert n_full >= _NB and tail_c % 8 == 0
    n_nodes = x.shape[0]
    rows_per_s = n_nodes // _NUM_SUBCORES
    mesh = plsc.VectorSubcoreMesh(core_axis_name="c", subcore_axis_name="s")

    scratch = (
        [
            pltpu.VMEM_SHARED((n_nodes, _D), jnp.float32),
            pltpu.VMEM((per_w,), jnp.int32),
        ]
        + [pltpu.VMEM((_CHUNK, _D), jnp.float32) for _ in range(_NB)]
        + [pltpu.SemaphoreType.DMA for _ in range(2 * _NB)]
    )

    @functools.partial(
        pl.kernel,
        out_type=jax.ShapeDtypeStruct((n_edges, _D), jnp.float32),
        mesh=mesh,
        scratch_types=scratch,
    )
    def body(x_hbm, src_hbm, out_hbm, xs, idx_v, *bufs_and_sems):
        bufs = bufs_and_sems[:_NB]
        gsem = bufs_and_sems[_NB : 2 * _NB]
        wsem = bufs_and_sems[2 * _NB :]

        sid = lax.axis_index("s")
        wid = sid * _NUM_CORES + lax.axis_index("c")
        base = wid * per_w
        pltpu.sync_copy(src_hbm.at[pl.ds(base, per_w)], idx_v)

        def gather_start(c, b, src_ref=None):
            src_ref = xs if src_ref is None else src_ref
            pltpu.async_copy(
                src_ref.at[idx_v.at[pl.ds(c * _CHUNK, _CHUNK)]], bufs[b], gsem[b]
            )

        for b in range(_NB):
            gather_start(b, b, x_hbm)

        chunk8 = (n_nodes // _NUM_SUBCORES) & ~7
        tail = n_nodes - chunk8 * _NUM_SUBCORES
        pltpu.sync_copy(
            x_hbm.at[pl.ds(sid * chunk8, chunk8)],
            xs.at[pl.ds(sid * chunk8, chunk8)],
        )
        if tail:

            @pl.when(sid == 0)
            def _():
                pltpu.sync_copy(
                    x_hbm.at[pl.ds(chunk8 * _NUM_SUBCORES, tail)],
                    xs.at[pl.ds(chunk8 * _NUM_SUBCORES, tail)],
                )
        plsc.subcore_barrier()

        def gather_wait(b):
            pltpu.make_async_copy(
                x_hbm.at[pl.ds(0, _CHUNK)], bufs[b], gsem[b]
            ).wait()

        def write_start(c, b):
            pltpu.async_copy(
                bufs[b], out_hbm.at[pl.ds(base + c * _CHUNK, _CHUNK)], wsem[b]
            )

        def write_wait(b):
            pltpu.make_async_copy(
                bufs[b], out_hbm.at[pl.ds(base, _CHUNK)], wsem[b]
            ).wait()

        def round_body(i, carry):
            c0 = i * _NB
            for b in range(_NB):
                gather_wait(b)
                write_start(c0 + b, b)
            for b in range(_NB):
                write_wait(b)
                nxt = c0 + _NB + b

                @pl.when(nxt < n_full)
                def _():
                    gather_start(nxt, b)

            return carry

        lax.fori_loop(0, n_rounds, round_body, 0, unroll=False)

        for b in range(n_full - n_rounds * _NB):
            gather_wait(b)
            write_start(n_rounds * _NB + b, b)
            write_wait(b)

        if tail_c:
            off = n_full * _CHUNK
            pltpu.async_copy(
                xs.at[idx_v.at[pl.ds(off, tail_c)]],
                bufs[0].at[pl.ds(0, tail_c)],
                gsem[0],
            ).wait()
            pltpu.sync_copy(
                bufs[0].at[pl.ds(0, tail_c)],
                out_hbm.at[pl.ds(base + off, tail_c)],
            )

    return body(x, src)


def kernel(x, edge_index):
    src = edge_index[0].astype(jnp.int32)
    return _sc_gather(x, src, n_edges=src.shape[0])

# --- scband reference (transcript-rebuilt; emitter-appended) ---
"""Pipeline reference for scband-sageprimitive-gather-41807211659456 (READ-ONLY COPY).

The authoritative reference and input builder live on the scoring server;
editing this copy changes nothing except your own understanding.
"""

import jax, jax.numpy as jnp
import numpy as np


def setup_inputs(seed: int = 0) -> dict:
    key = jax.random.key(seed)
    kx, ke = jax.random.split(key)
    x = jax.random.normal(kx, (10000, 128), dtype=jnp.float32)
    edge_index = jax.random.randint(ke, (2, 320000), 0, 10000, dtype=jnp.int64)
    return {"x": x, "edge_index": edge_index}


def reference(x, edge_index):
    # SAGE Stage 1: gather source-node features per edge.
    # P2_Gather(x, edge_index[0]) == x[edge_index[0]]
    src = edge_index[0]
    return jnp.take(x, src, axis=0)

if __name__ == "__main__":
    import jax
    _d = setup_inputs()
    print(jax.jit(kernel)(*tuple(_d.values())))

</pallas_src>

<mosaic_0001>
#map = affine_map<(d0, d1) -> (0, 0)>
#map1 = affine_map<(d0, d1) -> (0)>
module attributes {stable_mosaic.version = 14 : i64} {
  func.func @body(%arg0: i32, %arg1: i32, %arg2: memref<10000x128xf32, #tpu.memory_space<hbm>>, %arg3: memref<320000xi32, #tpu.memory_space<hbm>>, %arg4: memref<320000x128xf32, #tpu.memory_space<hbm>>, %arg5: memref<10000x128xf32, #tpu.memory_space<vmem_shared>>, %arg6: memref<10000xi32, #tpu.memory_space<vmem>>, %arg7: memref<40x128xf32, #tpu.memory_space<vmem>>, %arg8: memref<40x128xf32, #tpu.memory_space<vmem>>, %arg9: memref<40x128xf32, #tpu.memory_space<vmem>>, %arg10: memref<40x128xf32, #tpu.memory_space<vmem>>, %arg11: memref<40x128xf32, #tpu.memory_space<vmem>>, %arg12: memref<40x128xf32, #tpu.memory_space<vmem>>, %arg13: memref<40x128xf32, #tpu.memory_space<vmem>>, %arg14: memref<40x128xf32, #tpu.memory_space<vmem>>, %arg15: memref<!tpu.dma_semaphore, #tpu.memory_space<semaphore_mem>>, %arg16: memref<!tpu.dma_semaphore, #tpu.memory_space<semaphore_mem>>, %arg17: memref<!tpu.dma_semaphore, #tpu.memory_space<semaphore_mem>>, %arg18: memref<!tpu.dma_semaphore, #tpu.memory_space<semaphore_mem>>, %arg19: memref<!tpu.dma_semaphore, #tpu.memory_space<semaphore_mem>>, %arg20: memref<!tpu.dma_semaphore, #tpu.memory_space<semaphore_mem>>, %arg21: memref<!tpu.dma_semaphore, #tpu.memory_space<semaphore_mem>>, %arg22: memref<!tpu.dma_semaphore, #tpu.memory_space<semaphore_mem>>, %arg23: memref<!tpu.dma_semaphore, #tpu.memory_space<semaphore_mem>>, %arg24: memref<!tpu.dma_semaphore, #tpu.memory_space<semaphore_mem>>, %arg25: memref<!tpu.dma_semaphore, #tpu.memory_space<semaphore_mem>>, %arg26: memref<!tpu.dma_semaphore, #tpu.memory_space<semaphore_mem>>, %arg27: memref<!tpu.dma_semaphore, #tpu.memory_space<semaphore_mem>>, %arg28: memref<!tpu.dma_semaphore, #tpu.memory_space<semaphore_mem>>, %arg29: memref<!tpu.dma_semaphore, #tpu.memory_space<semaphore_mem>>, %arg30: memref<!tpu.dma_semaphore, #tpu.memory_space<semaphore_mem>>) attributes {dimension_semantics = [#tpu.dimension_semantics<core_parallel>, #tpu.dimension_semantics<subcore_parallel>], iteration_bounds = array<i64: 2, 16>, scalar_prefetch = 0 : i64, scratch_operands = 26 : i64, tpu.core_type = #tpu.core_type<sc_vector_subcore>, window_params = [{transform_indices = #map}, {transform_indices = #map1}, {transform_indices = #map}]} {
    %mul3A = arith.constant 2 : i32
    %mul3A_0 = arith.muli %arg1, %mul3A : i32
    %add3A = arith.addi %mul3A_0, %arg0 : i32
    %mul3A_1 = arith.constant 10000 : i32
    %mul3A_2 = arith.muli %add3A, %mul3A_1 : i32
    "tpu.region"() ({
      %run_scoped3A = tpu.sem_alloc : memref<!tpu.dma_semaphore, #tpu.memory_space<semaphore_mem>>
      %dma_start3A_84 = tpu.memref_slice %arg3[%mul3A_2] : memref<320000xi32, #tpu.memory_space<hbm>> -> memref<10000xi32, #tpu.memory_space<hbm>>
      %dma_start3A_85 = tpu.memref_slice %arg3[%mul3A_2] : memref<320000xi32, #tpu.memory_space<hbm>> -> memref<10000xi32, #tpu.memory_space<hbm>>
      tpu.enqueue_dma source(%dma_start3A_85 : memref<10000xi32, #tpu.memory_space<hbm>>) target(%arg6 : memref<10000xi32, #tpu.memory_space<vmem>>) target_semaphore(%run_scoped3A : memref<!tpu.dma_semaphore, #tpu.memory_space<semaphore_mem>>)
      %dma_wait3A_86 = tpu.memref_slice %arg3[%mul3A_2] : memref<320000xi32, #tpu.memory_space<hbm>> -> memref<10000xi32, #tpu.memory_space<hbm>>
      %dma_wait3A_87 = tpu.memref_slice %arg3[%mul3A_2] : memref<320000xi32, #tpu.memory_space<hbm>> -> memref<10000xi32, #tpu.memory_space<hbm>>
      tpu.wait_dma2 semaphore(%run_scoped3A : memref<!tpu.dma_semaphore, #tpu.memory_space<semaphore_mem>>) src(%dma_wait3A_87 : memref<10000xi32, #tpu.memory_space<hbm>>) dst(%arg6 : memref<10000xi32, #tpu.memory_space<vmem>>)
      tpu.yield
    }) : () -> ()
    %dma_start3A = arith.constant 0 : i32
    %dma_start3A_3 = tpu.memref_slice %arg6[%dma_start3A] : memref<10000xi32, #tpu.memory_space<vmem>> -> memref<40xi32, #tpu.memory_space<vmem>>
    %dma_start3A_4 = arith.constant 0 : i32
    %dma_start3A_5 = arith.constant 0 : i32
    %dma_start3A_6 = tpu.memref_slice %arg2[%dma_start3A_4, %dma_start3A_5] : memref<10000x128xf32, #tpu.memory_space<hbm>> -> memref<10000x128xf32, #tpu.memory_space<hbm>>
    tpu.enqueue_indirect_dma source(%dma_start3A_6 : memref<10000x128xf32, #tpu.memory_space<hbm>>) target(%arg7 : memref<40x128xf32, #tpu.memory_space<vmem>>) offsets(%dma_start3A_3 : memref<40xi32, #tpu.memory_space<vmem>>) semaphore(%arg15 : memref<!tpu.dma_semaphore, #tpu.memory_space<semaphore_mem>>)
    %dma_start3A_7 = arith.constant 40 : i32
    %dma_start3A_8 = tpu.memref_slice %arg6[%dma_start3A_7] : memref<10000xi32, #tpu.memory_space<vmem>> -> memref<40xi32, #tpu.memory_space<vmem>>
    %dma_start3A_9 = arith.constant 0 : i32
    %dma_start3A_10 = arith.constant 0 : i32
    %dma_start3A_11 = tpu.memref_slice %arg2[%dma_start3A_9, %dma_start3A_10] : memref<10000x128xf32, #tpu.memory_space<hbm>> -> memref<10000x128xf32, #tpu.memory_space<hbm>>
    tpu.enqueue_indirect_dma source(%dma_start3A_11 : memref<10000x128xf32, #tpu.memory_space<hbm>>) target(%arg8 : memref<40x128xf32, #tpu.memory_space<vmem>>) offsets(%dma_start3A_8 : memref<40xi32, #tpu.memory_space<vmem>>) semaphore(%arg16 : memref<!tpu.dma_semaphore, #tpu.memory_space<semaphore_mem>>)
    %dma_start3A_12 = arith.constant 80 : i32
    %dma_start3A_13 = tpu.memref_slice %arg6[%dma_start3A_12] : memref<10000xi32, #tpu.memory_space<vmem>> -> memref<40xi32, #tpu.memory_space<vmem>>
    %dma_start3A_14 = arith.constant 0 : i32
    %dma_start3A_15 = arith.constant 0 : i32
    %dma_start3A_16 = tpu.memref_slice %arg2[%dma_start3A_14, %dma_start3A_15] : memref<10000x128xf32, #tpu.memory_space<hbm>> -> memref<10000x128xf32, #tpu.memory_space<hbm>>
    tpu.enqueue_indirect_dma source(%dma_start3A_16 : memref<10000x128xf32, #tpu.memory_space<hbm>>) target(%arg9 : memref<40x128xf32, #tpu.memory_space<vmem>>) offsets(%dma_start3A_13 : memref<40xi32, #tpu.memory_space<vmem>>) semaphore(%arg17 : memref<!tpu.dma_semaphore, #tpu.memory_space<semaphore_mem>>)
    %dma_start3A_17 = arith.constant 120 : i32
    %dma_start3A_18 = tpu.memref_slice %arg6[%dma_start3A_17] : memref<10000xi32, #tpu.memory_space<vmem>> -> memref<40xi32, #tpu.memory_space<vmem>>
    %dma_start3A_19 = arith.constant 0 : i32
    %dma_start3A_20 = arith.constant 0 : i32
    %dma_start3A_21 = tpu.memref_slice %arg2[%dma_start3A_19, %dma_start3A_20] : memref<10000x128xf32, #tpu.memory_space<hbm>> -> memref<10000x128xf32, #tpu.memory_space<hbm>>
    tpu.enqueue_indirect_dma source(%dma_start3A_21 : memref<10000x128xf32, #tpu.memory_space<hbm>>) target(%arg10 : memref<40x128xf32, #tpu.memory_space<vmem>>) offsets(%dma_start3A_18 : memref<40xi32, #tpu.memory_space<vmem>>) semaphore(%arg18 : memref<!tpu.dma_semaphore, #tpu.memory_space<semaphore_mem>>)
    %dma_start3A_22 = arith.constant 160 : i32
    %dma_start3A_23 = tpu.memref_slice %arg6[%dma_start3A_22] : memref<10000xi32, #tpu.memory_space<vmem>> -> memref<40xi32, #tpu.memory_space<vmem>>
    %dma_start3A_24 = arith.constant 0 : i32
    %dma_start3A_25 = arith.constant 0 : i32
    %dma_start3A_26 = tpu.memref_slice %arg2[%dma_start3A_24, %dma_start3A_25] : memref<10000x128xf32, #tpu.memory_space<hbm>> -> memref<10000x128xf32, #tpu.memory_space<hbm>>
    tpu.enqueue_indirect_dma source(%dma_start3A_26 : memref<10000x128xf32, #tpu.memory_space<hbm>>) target(%arg11 : memref<40x128xf32, #tpu.memory_space<vmem>>) offsets(%dma_start3A_23 : memref<40xi32, #tpu.memory_space<vmem>>) semaphore(%arg19 : memref<!tpu.dma_semaphore, #tpu.memory_space<semaphore_mem>>)
    %dma_start3A_27 = arith.constant 200 : i32
    %dma_start3A_28 = tpu.memref_slice %arg6[%dma_start3A_27] : memref<10000xi32, #tpu.memory_space<vmem>> -> memref<40xi32, #tpu.memory_space<vmem>>
    %dma_start3A_29 = arith.constant 0 : i32
    %dma_start3A_30 = arith.constant 0 : i32
    %dma_start3A_31 = tpu.memref_slice %arg2[%dma_start3A_29, %dma_start3A_30] : memref<10000x128xf32, #tpu.memory_space<hbm>> -> memref<10000x128xf32, #tpu.memory_space<hbm>>
    tpu.enqueue_indirect_dma source(%dma_start3A_31 : memref<10000x128xf32, #tpu.memory_space<hbm>>) target(%arg12 : memref<40x128xf32, #tpu.memory_space<vmem>>) offsets(%dma_start3A_28 : memref<40xi32, #tpu.memory_space<vmem>>) semaphore(%arg20 : memref<!tpu.dma_semaphore, #tpu.memory_space<semaphore_mem>>)
    %dma_start3A_32 = arith.constant 240 : i32
    %dma_start3A_33 = tpu.memref_slice %arg6[%dma_start3A_32] : memref<10000xi32, #tpu.memory_space<vmem>> -> memref<40xi32, #tpu.memory_space<vmem>>
    %dma_start3A_34 = arith.constant 0 : i32
    %dma_start3A_35 = arith.constant 0 : i32
    %dma_start3A_36 = tpu.memref_slice %arg2[%dma_start3A_34, %dma_start3A_35] : memref<10000x128xf32, #tpu.memory_space<hbm>> -> memref<10000x128xf32, #tpu.memory_space<hbm>>
    tpu.enqueue_indirect_dma source(%dma_start3A_36 : memref<10000x128xf32, #tpu.memory_space<hbm>>) target(%arg13 : memref<40x128xf32, #tpu.memory_space<vmem>>) offsets(%dma_start3A_33 : memref<40xi32, #tpu.memory_space<vmem>>) semaphore(%arg21 : memref<!tpu.dma_semaphore, #tpu.memory_space<semaphore_mem>>)
    %dma_start3A_37 = arith.constant 280 : i32
    %dma_start3A_38 = tpu.memref_slice %arg6[%dma_start3A_37] : memref<10000xi32, #tpu.memory_space<vmem>> -> memref<40xi32, #tpu.memory_space<vmem>>
    %dma_start3A_39 = arith.constant 0 : i32
    %dma_start3A_40 = arith.constant 0 : i32
    %dma_start3A_41 = tpu.memref_slice %arg2[%dma_start3A_39, %dma_start3A_40] : memref<10000x128xf32, #tpu.memory_space<hbm>> -> memref<10000x128xf32, #tpu.memory_space<hbm>>
    tpu.enqueue_indirect_dma source(%dma_start3A_41 : memref<10000x128xf32, #tpu.memory_space<hbm>>) target(%arg14 : memref<40x128xf32, #tpu.memory_space<vmem>>) offsets(%dma_start3A_38 : memref<40xi32, #tpu.memory_space<vmem>>) semaphore(%arg22 : memref<!tpu.dma_semaphore, #tpu.memory_space<semaphore_mem>>)
    %mul3A_42 = arith.constant 624 : i32
    %mul3A_43 = arith.muli %arg1, %mul3A_42 : i32
    %mul3A_44 = arith.constant 624 : i32
    %mul3A_45 = arith.muli %arg1, %mul3A_44 : i32
    "tpu.region"() ({
      %run_scoped3A = tpu.sem_alloc : memref<!tpu.dma_semaphore, #tpu.memory_space<semaphore_mem>>
      %dma_start3A_84 = arith.constant 0 : i32
      %dma_start3A_85 = tpu.memref_slice %arg5[%mul3A_45, %dma_start3A_84] : memref<10000x128xf32, #tpu.memory_space<vmem_shared>> -> memref<624x128xf32, #tpu.memory_space<vmem_shared>>
      %dma_start3A_86 = arith.constant 0 : i32
      %dma_start3A_87 = tpu.memref_slice %arg2[%mul3A_43, %dma_start3A_86] : memref<10000x128xf32, #tpu.memory_space<hbm>> -> memref<624x128xf32, #tpu.memory_space<hbm>>
      tpu.enqueue_dma source(%dma_start3A_87 : memref<624x128xf32, #tpu.memory_space<hbm>>) target(%dma_start3A_85 : memref<624x128xf32, #tpu.memory_space<vmem_shared>>) target_semaphore(%run_scoped3A : memref<!tpu.dma_semaphore, #tpu.memory_space<semaphore_mem>>)
      %dma_wait3A_88 = arith.constant 0 : i32
      %dma_wait3A_89 = tpu.memref_slice %arg5[%mul3A_45, %dma_wait3A_88] : memref<10000x128xf32, #tpu.memory_space<vmem_shared>> -> memref<624x128xf32, #tpu.memory_space<vmem_shared>>
      %dma_wait3A_90 = arith.constant 0 : i32
      %dma_wait3A_91 = tpu.memref_slice %arg2[%mul3A_43, %dma_wait3A_90] : memref<10000x128xf32, #tpu.memory_space<hbm>> -> memref<624x128xf32, #tpu.memory_space<hbm>>
      tpu.wait_dma2 semaphore(%run_scoped3A : memref<!tpu.dma_semaphore, #tpu.memory_space<semaphore_mem>>) src(%dma_wait3A_91 : memref<624x128xf32, #tpu.memory_space<hbm>>) dst(%dma_wait3A_89 : memref<624x128xf32, #tpu.memory_space<vmem_shared>>)
      tpu.yield
    }) : () -> ()
    %eq3A = arith.constant 0 : i32
    %eq3A_46 = arith.cmpi eq, %arg1, %eq3A : i32
    %convert_element_type3A = arith.extui %eq3A_46 : i1 to i32
    %cond3A = arith.constant 0 : i32
    %cond3A_47 = arith.cmpi ne, %convert_element_type3A, %cond3A : i32
    scf.if %cond3A_47 {
      "tpu.region"() ({
        %run_scoped3A = tpu.sem_alloc : memref<!tpu.dma_semaphore, #tpu.memory_space<semaphore_mem>>
        %dma_start3A_84 = arith.constant 9984 : i32
        %dma_start3A_85 = arith.constant 0 : i32
        %dma_start3A_86 = tpu.memref_slice %arg5[%dma_start3A_84, %dma_start3A_85] : memref<10000x128xf32, #tpu.memory_space<vmem_shared>> -> memref<16x128xf32, #tpu.memory_space<vmem_shared>>
        %dma_start3A_87 = arith.constant 9984 : i32
        %dma_start3A_88 = arith.constant 0 : i32
        %dma_start3A_89 = tpu.memref_slice %arg2[%dma_start3A_87, %dma_start3A_88] : memref<10000x128xf32, #tpu.memory_space<hbm>> -> memref<16x128xf32, #tpu.memory_space<hbm>>
        tpu.enqueue_dma source(%dma_start3A_89 : memref<16x128xf32, #tpu.memory_space<hbm>>) target(%dma_start3A_86 : memref<16x128xf32, #tpu.memory_space<vmem_shared>>) target_semaphore(%run_scoped3A : memref<!tpu.dma_semaphore, #tpu.memory_space<semaphore_mem>>)
        %dma_wait3A_90 = arith.constant 9984 : i32
        %dma_wait3A_91 = arith.constant 0 : i32
        %dma_wait3A_92 = tpu.memref_slice %arg5[%dma_wait3A_90, %dma_wait3A_91] : memref<10000x128xf32, #tpu.memory_space<vmem_shared>> -> memref<16x128xf32, #tpu.memory_space<vmem_shared>>
        %dma_wait3A_93 = arith.constant 9984 : i32
        %dma_wait3A_94 = arith.constant 0 : i32
        %dma_wait3A_95 = tpu.memref_slice %arg2[%dma_wait3A_93, %dma_wait3A_94] : memref<10000x128xf32, #tpu.memory_space<hbm>> -> memref<16x128xf32, #tpu.memory_space<hbm>>
        tpu.wait_dma2 semaphore(%run_scoped3A : memref<!tpu.dma_semaphore, #tpu.memory_space<semaphore_mem>>) src(%dma_wait3A_95 : memref<16x128xf32, #tpu.memory_space<hbm>>) dst(%dma_wait3A_92 : memref<16x128xf32, #tpu.memory_space<vmem_shared>>)
        tpu.yield
      }) : () -> ()
    } else {
    }
    %barrier3A = arith.constant 0 : index
    tpu.barrier barrier_id(%barrier3A)
    %scan3A = arith.constant 0 : i32
    %scan3A_48 = arith.constant 0 : i32
    %scan3A_49 = arith.constant 31 : i32
    %scan3A_50 = arith.addi %scan3A_48, %scan3A_49 : i32
    %scan3A_51 = arith.constant 1 : i32
    scf.for %scan3A_84 = %scan3A_48 to %scan3A_50 step %scan3A_51  : i32 {
      %mul3A_85 = arith.constant 8 : i32
      %mul3A_86 = arith.muli %scan3A_84, %mul3A_85 : i32
      %dma_wait3A_87 = arith.constant 0 : i32
      %dma_wait3A_88 = arith.constant 0 : i32
      %dma_wait3A_89 = tpu.memref_slice %arg2[%dma_wait3A_87, %dma_wait3A_88] : memref<10000x128xf32, #tpu.memory_space<hbm>> -> memref<40x128xf32, #tpu.memory_space<hbm>>
      %dma_wait3A_90 = arith.constant 0 : i32
      %dma_wait3A_91 = arith.constant 0 : i32
      %dma_wait3A_92 = tpu.memref_slice %arg2[%dma_wait3A_90, %dma_wait3A_91] : memref<10000x128xf32, #tpu.memory_space<hbm>> -> memref<40x128xf32, #tpu.memory_space<hbm>>
      tpu.wait_dma2 semaphore(%arg15 : memref<!tpu.dma_semaphore, #tpu.memory_space<semaphore_mem>>) src(%dma_wait3A_92 : memref<40x128xf32, #tpu.memory_space<hbm>>) dst(%arg7 : memref<40x128xf32, #tpu.memory_space<vmem>>)
      %add3A_93 = arith.constant 0 : i32
      %add3A_94 = arith.addi %mul3A_86, %add3A_93 : i32
      %mul3A_95 = arith.constant 40 : i32
      %mul3A_96 = arith.muli %add3A_94, %mul3A_95 : i32
      %add3A_97 = arith.addi %mul3A_2, %mul3A_96 : i32
      %dma_start3A_98 = arith.constant 0 : i32
      %dma_start3A_99 = tpu.memref_slice %arg4[%add3A_97, %dma_start3A_98] : memref<320000x128xf32, #tpu.memory_space<hbm>> -> memref<40x128xf32, #tpu.memory_space<hbm>>
      %dma_start3A_100 = arith.constant 0 : i32
      %dma_start3A_101 = tpu.memref_slice %arg4[%add3A_97, %dma_start3A_100] : memref<320000x128xf32, #tpu.memory_space<hbm>> -> memref<40x128xf32, #tpu.memory_space<hbm>>
      tpu.enqueue_dma source(%arg7 : memref<40x128xf32, #tpu.memory_space<vmem>>) target(%dma_start3A_101 : memref<40x128xf32, #tpu.memory_space<hbm>>) target_semaphore(%arg23 : memref<!tpu.dma_semaphore, #tpu.memory_space<semaphore_mem>>)
      %dma_wait3A_102 = arith.constant 0 : i32
      %dma_wait3A_103 = arith.constant 0 : i32
      %dma_wait3A_104 = tpu.memref_slice %arg2[%dma_wait3A_102, %dma_wait3A_103] : memref<10000x128xf32, #tpu.memory_space<hbm>> -> memref<40x128xf32, #tpu.memory_space<hbm>>
      %dma_wait3A_105 = arith.constant 0 : i32
      %dma_wait3A_106 = arith.constant 0 : i32
      %dma_wait3A_107 = tpu.memref_slice %arg2[%dma_wait3A_105, %dma_wait3A_106] : memref<10000x128xf32, #tpu.memory_space<hbm>> -> memref<40x128xf32, #tpu.memory_space<hbm>>
      tpu.wait_dma2 semaphore(%arg16 : memref<!tpu.dma_semaphore, #tpu.memory_space<semaphore_mem>>) src(%dma_wait3A_107 : memref<40x128xf32, #tpu.memory_space<hbm>>) dst(%arg8 : memref<40x128xf32, #tpu.memory_space<vmem>>)
      %add3A_108 = arith.constant 1 : i32
      %add3A_109 = arith.addi %mul3A_86, %add3A_108 : i32
      %mul3A_110 = arith.constant 40 : i32
      %mul3A_111 = arith.muli %add3A_109, %mul3A_110 : i32
      %add3A_112 = arith.addi %mul3A_2, %mul3A_111 : i32
      %dma_start3A_113 = arith.constant 0 : i32
      %dma_start3A_114 = tpu.memref_slice %arg4[%add3A_112, %dma_start3A_113] : memref<320000x128xf32, #tpu.memory_space<hbm>> -> memref<40x128xf32, #tpu.memory_space<hbm>>
      %dma_start3A_115 = arith.constant 0 : i32
      %dma_start3A_116 = tpu.memref_slice %arg4[%add3A_112, %dma_start3A_115] : memref<320000x128xf32, #tpu.memory_space<hbm>> -> memref<40x128xf32, #tpu.memory_space<hbm>>
      tpu.enqueue_dma source(%arg8 : memref<40x128xf32, #tpu.memory_space<vmem>>) target(%dma_start3A_116 : memref<40x128xf32, #tpu.memory_space<hbm>>) target_semaphore(%arg24 : memref<!tpu.dma_semaphore, #tpu.memory_space<semaphore_mem>>)
      %dma_wait3A_117 = arith.constant 0 : i32
      %dma_wait3A_118 = arith.constant 0 : i32
      %dma_wait3A_119 = tpu.memref_slice %arg2[%dma_wait3A_117, %dma_wait3A_118] : memref<10000x128xf32, #tpu.memory_space<hbm>> -> memref<40x128xf32, #tpu.memory_space<hbm>>
      %dma_wait3A_120 = arith.constant 0 : i32
      %dma_wait3A_121 = arith.constant 0 : i32
      %dma_wait3A_122 = tpu.memref_slice %arg2[%dma_wait3A_120, %dma_wait3A_121] : memref<10000x128xf32, #tpu.memory_space<hbm>> -> memref<40x128xf32, #tpu.memory_space<hbm>>
      tpu.wait_dma2 semaphore(%arg17 : memref<!tpu.dma_semaphore, #tpu.memory_space<semaphore_mem>>) src(%dma_wait3A_122 : memref<40x128xf32, #tpu.memory_space<hbm>>) dst(%arg9 : memref<40x128xf32, #tpu.memory_space<vmem>>)
      %add3A_123 = arith.constant 2 : i32
      %add3A_124 = arith.addi %mul3A_86, %add3A_123 : i32
      %mul3A_125 = arith.constant 40 : i32
      %mul3A_126 = arith.muli %add3A_124, %mul3A_125 : i32
      %add3A_127 = arith.addi %mul3A_2, %mul3A_126 : i32
      %dma_start3A_128 = arith.constant 0 : i32
      %dma_start3A_129 = tpu.memref_slice %arg4[%add3A_127, %dma_start3A_128] : memref<320000x128xf32, #tpu.memory_space<hbm>> -> memref<40x128xf32, #tpu.memory_space<hbm>>
      %dma_start3A_130 = arith.constant 0 : i32
      %dma_start3A_131 = tpu.memref_slice %arg4[%add3A_127, %dma_start3A_130] : memref<320000x128xf32, #tpu.memory_space<hbm>> -> memref<40x128xf32, #tpu.memory_space<hbm>>
      tpu.enqueue_dma source(%arg9 : memref<40x128xf32, #tpu.memory_space<vmem>>) target(%dma_start3A_131 : memref<40x128xf32, #tpu.memory_space<hbm>>) target_semaphore(%arg25 : memref<!tpu.dma_semaphore, #tpu.memory_space<semaphore_mem>>)
      %dma_wait3A_132 = arith.constant 0 : i32
      %dma_wait3A_133 = arith.constant 0 : i32
      %dma_wait3A_134 = tpu.memref_slice %arg2[%dma_wait3A_132, %dma_wait3A_133] : memref<10000x128xf32, #tpu.memory_space<hbm>> -> memref<40x128xf32, #tpu.memory_space<hbm>>
      %dma_wait3A_135 = arith.constant 0 : i32
      %dma_wait3A_136 = arith.constant 0 : i32
      %dma_wait3A_137 = tpu.memref_slice %arg2[%dma_wait3A_135, %dma_wait3A_136] : memref<10000x128xf32, #tpu.memory_space<hbm>> -> memref<40x128xf32, #tpu.memory_space<hbm>>
      tpu.wait_dma2 semaphore(%arg18 : memref<!tpu.dma_semaphore, #tpu.memory_space<semaphore_mem>>) src(%dma_wait3A_137 : memref<40x128xf32, #tpu.memory_space<hbm>>) dst(%arg10 : memref<40x128xf32, #tpu.memory_space<vmem>>)
      %add3A_138 = arith.constant 3 : i32
      %add3A_139 = arith.addi %mul3A_86, %add3A_138 : i32
      %mul3A_140 = arith.constant 40 : i32
      %mul3A_141 = arith.muli %add3A_139, %mul3A_140 : i32
      %add3A_142 = arith.addi %mul3A_2, %mul3A_141 : i32
      %dma_start3A_143 = arith.constant 0 : i32
      %dma_start3A_144 = tpu.memref_slice %arg4[%add3A_142, %dma_start3A_143] : memref<320000x128xf32, #tpu.memory_space<hbm>> -> memref<40x128xf32, #tpu.memory_space<hbm>>
      %dma_start3A_145 = arith.constant 0 : i32
      %dma_start3A_146 = tpu.memref_slice %arg4[%add3A_142, %dma_start3A_145] : memref<320000x128xf32, #tpu.memory_space<hbm>> -> memref<40x128xf32, #tpu.memory_space<hbm>>
      tpu.enqueue_dma source(%arg10 : memref<40x128xf32, #tpu.memory_space<vmem>>) target(%dma_start3A_146 : memref<40x128xf32, #tpu.memory_space<hbm>>) target_semaphore(%arg26 : memref<!tpu.dma_semaphore, #tpu.memory_space<semaphore_mem>>)
      %dma_wait3A_147 = arith.constant 0 : i32
      %dma_wait3A_148 = arith.constant 0 : i32
      %dma_wait3A_149 = tpu.memref_slice %arg2[%dma_wait3A_147, %dma_wait3A_148] : memref<10000x128xf32, #tpu.memory_space<hbm>> -> memref<40x128xf32, #tpu.memory_space<hbm>>
      %dma_wait3A_150 = arith.constant 0 : i32
      %dma_wait3A_151 = arith.constant 0 : i32
      %dma_wait3A_152 = tpu.memref_slice %arg2[%dma_wait3A_150, %dma_wait3A_151] : memref<10000x128xf32, #tpu.memory_space<hbm>> -> memref<40x128xf32, #tpu.memory_space<hbm>>
      tpu.wait_dma2 semaphore(%arg19 : memref<!tpu.dma_semaphore, #tpu.memory_space<semaphore_mem>>) src(%dma_wait3A_152 : memref<40x128xf32, #tpu.memory_space<hbm>>) dst(%arg11 : memref<40x128xf32, #tpu.memory_space<vmem>>)
      %add3A_153 = arith.constant 4 : i32
      %add3A_154 = arith.addi %mul3A_86, %add3A_153 : i32
      %mul3A_155 = arith.constant 40 : i32
      %mul3A_156 = arith.muli %add3A_154, %mul3A_155 : i32
      %add3A_157 = arith.addi %mul3A_2, %mul3A_156 : i32
      %dma_start3A_158 = arith.constant 0 : i32
      %dma_start3A_159 = tpu.memref_slice %arg4[%add3A_157, %dma_start3A_158] : memref<320000x128xf32, #tpu.memory_space<hbm>> -> memref<40x128xf32, #tpu.memory_space<hbm>>
      %dma_start3A_160 = arith.constant 0 : i32
      %dma_start3A_161 = tpu.memref_slice %arg4[%add3A_157, %dma_start3A_160] : memref<320000x128xf32, #tpu.memory_space<hbm>> -> memref<40x128xf32, #tpu.memory_space<hbm>>
      tpu.enqueue_dma source(%arg11 : memref<40x128xf32, #tpu.memory_space<vmem>>) target(%dma_start3A_161 : memref<40x128xf32, #tpu.memory_space<hbm>>) target_semaphore(%arg27 : memref<!tpu.dma_semaphore, #tpu.memory_space<semaphore_mem>>)
      %dma_wait3A_162 = arith.constant 0 : i32
      %dma_wait3A_163 = arith.constant 0 : i32
      %dma_wait3A_164 = tpu.memref_slice %arg2[%dma_wait3A_162, %dma_wait3A_163] : memref<10000x128xf32, #tpu.memory_space<hbm>> -> memref<40x128xf32, #tpu.memory_space<hbm>>
      %dma_wait3A_165 = arith.constant 0 : i32
      %dma_wait3A_166 = arith.constant 0 : i32
      %dma_wait3A_167 = tpu.memref_slice %arg2[%dma_wait3A_165, %dma_wait3A_166] : memref<10000x128xf32, #tpu.memory_space<hbm>> -> memref<40x128xf32, #tpu.memory_space<hbm>>
      tpu.wait_dma2 semaphore(%arg20 : memref<!tpu.dma_semaphore, #tpu.memory_space<semaphore_mem>>) src(%dma_wait3A_167 : memref<40x128xf32, #tpu.memory_space<hbm>>) dst(%arg12 : memref<40x128xf32, #tpu.memory_space<vmem>>)
      %add3A_168 = arith.constant 5 : i32
      %add3A_169 = arith.addi %mul3A_86, %add3A_168 : i32
      %mul3A_170 = arith.constant 40 : i32
      %mul3A_171 = arith.muli %add3A_169, %mul3A_170 : i32
      %add3A_172 = arith.addi %mul3A_2, %mul3A_171 : i32
      %dma_start3A_173 = arith.constant 0 : i32
      %dma_start3A_174 = tpu.memref_slice %arg4[%add3A_172, %dma_start3A_173] : memref<320000x128xf32, #tpu.memory_space<hbm>> -> memref<40x128xf32, #tpu.memory_space<hbm>>
      %dma_start3A_175 = arith.constant 0 : i32
      %dma_start3A_176 = tpu.memref_slice %arg4[%add3A_172, %dma_start3A_175] : memref<320000x128xf32, #tpu.memory_space<hbm>> -> memref<40x128xf32, #tpu.memory_space<hbm>>
      tpu.enqueue_dma source(%arg12 : memref<40x128xf32, #tpu.memory_space<vmem>>) target(%dma_start3A_176 : memref<40x128xf32, #tpu.memory_space<hbm>>) target_semaphore(%arg28 : memref<!tpu.dma_semaphore, #tpu.memory_space<semaphore_mem>>)
      %dma_wait3A_177 = arith.constant 0 : i32
      %dma_wait3A_178 = arith.constant 0 : i32
      %dma_wait3A_179 = tpu.memref_slice %arg2[%dma_wait3A_177, %dma_wait3A_178] : memref<10000x128xf32, #tpu.memory_space<hbm>> -> memref<40x128xf32, #tpu.memory_space<hbm>>
      %dma_wait3A_180 = arith.constant 0 : i32
      %dma_wait3A_181 = arith.constant 0 : i32
      %dma_wait3A_182 = tpu.memref_slice %arg2[%dma_wait3A_180, %dma_wait3A_181] : memref<10000x128xf32, #tpu.memory_space<hbm>> -> memref<40x128xf32, #tpu.memory_space<hbm>>
      tpu.wait_dma2 semaphore(%arg21 : memref<!tpu.dma_semaphore, #tpu.memory_space<semaphore_mem>>) src(%dma_wait3A_182 : memref<40x128xf32, #tpu.memory_space<hbm>>) dst(%arg13 : memref<40x128xf32, #tpu.memory_space<vmem>>)
      %add3A_183 = arith.constant 6 : i32
      %add3A_184 = arith.addi %mul3A_86, %add3A_183 : i32
      %mul3A_185 = arith.constant 40 : i32
      %mul3A_186 = arith.muli %add3A_184, %mul3A_185 : i32
      %add3A_187 = arith.addi %mul3A_2, %mul3A_186 : i32
      %dma_start3A_188 = arith.constant 0 : i32
      %dma_start3A_189 = tpu.memref_slice %arg4[%add3A_187, %dma_start3A_188] : memref<320000x128xf32, #tpu.memory_space<hbm>> -> memref<40x128xf32, #tpu.memory_space<hbm>>
      %dma_start3A_190 = arith.constant 0 : i32
      %dma_start3A_191 = tpu.memref_slice %arg4[%add3A_187, %dma_start3A_190] : memref<320000x128xf32, #tpu.memory_space<hbm>> -> memref<40x128xf32, #tpu.memory_space<hbm>>
      tpu.enqueue_dma source(%arg13 : memref<40x128xf32, #tpu.memory_space<vmem>>) target(%dma_start3A_191 : memref<40x128xf32, #tpu.memory_space<hbm>>) target_semaphore(%arg29 : memref<!tpu.dma_semaphore, #tpu.memory_space<semaphore_mem>>)
      %dma_wait3A_192 = arith.constant 0 : i32
      %dma_wait3A_193 = arith.constant 0 : i32
      %dma_wait3A_194 = tpu.memref_slice %arg2[%dma_wait3A_192, %dma_wait3A_193] : memref<10000x128xf32, #tpu.memory_space<hbm>> -> memref<40x128xf32, #tpu.memory_space<hbm>>
      %dma_wait3A_195 = arith.constant 0 : i32
      %dma_wait3A_196 = arith.constant 0 : i32
      %dma_wait3A_197 = tpu.memref_slice %arg2[%dma_wait3A_195, %dma_wait3A_196] : memref<10000x128xf32, #tpu.memory_space<hbm>> -> memref<40x128xf32, #tpu.memory_space<hbm>>
      tpu.wait_dma2 semaphore(%arg22 : memref<!tpu.dma_semaphore, #tpu.memory_space<semaphore_mem>>) src(%dma_wait3A_197 : memref<40x128xf32, #tpu.memory_space<hbm>>) dst(%arg14 : memref<40x128xf32, #tpu.memory_space<vmem>>)
      %add3A_198 = arith.constant 7 : i32
      %add3A_199 = arith.addi %mul3A_86, %add3A_198 : i32
      %mul3A_200 = arith.constant 40 : i32
      %mul3A_201 = arith.muli %add3A_199, %mul3A_200 : i32
      %add3A_202 = arith.addi %mul3A_2, %mul3A_201 : i32
      %dma_start3A_203 = arith.constant 0 : i32
      %dma_start3A_204 = tpu.memref_slice %arg4[%add3A_202, %dma_start3A_203] : memref<320000x128xf32, #tpu.memory_space<hbm>> -> memref<40x128xf32, #tpu.memory_space<hbm>>
      %dma_start3A_205 = arith.constant 0 : i32
      %dma_start3A_206 = tpu.memref_slice %arg4[%add3A_202, %dma_start3A_205] : memref<320000x128xf32, #tpu.memory_space<hbm>> -> memref<40x128xf32, #tpu.memory_space<hbm>>
      tpu.enqueue_dma source(%arg14 : memref<40x128xf32, #tpu.memory_space<vmem>>) target(%dma_start3A_206 : memref<40x128xf32, #tpu.memory_space<hbm>>) target_semaphore(%arg30 : memref<!tpu.dma_semaphore, #tpu.memory_space<semaphore_mem>>)
      %dma_wait3A_207 = arith.constant 0 : i32
      %dma_wait3A_208 = tpu.memref_slice %arg4[%mul3A_2, %dma_wait3A_207] : memref<320000x128xf32, #tpu.memory_space<hbm>> -> memref<40x128xf32, #tpu.memory_space<hbm>>
      %dma_wait3A_209 = arith.constant 0 : i32
      %dma_wait3A_210 = tpu.memref_slice %arg4[%mul3A_2, %dma_wait3A_209] : memref<320000x128xf32, #tpu.memory_space<hbm>> -> memref<40x128xf32, #tpu.memory_space<hbm>>
      tpu.wait_dma2 semaphore(%arg23 : memref<!tpu.dma_semaphore, #tpu.memory_space<semaphore_mem>>) src(%arg7 : memref<40x128xf32, #tpu.memory_space<vmem>>) dst(%dma_wait3A_210 : memref<40x128xf32, #tpu.memory_space<hbm>>)
      %add3A_211 = arith.constant 8 : i32
      %add3A_212 = arith.addi %mul3A_86, %add3A_211 : i32
      %add3A_213 = arith.constant 0 : i32
      %add3A_214 = arith.addi %add3A_212, %add3A_213 : i32
      %lt3A = arith.constant 250 : i32
      %lt3A_215 = arith.cmpi slt, %add3A_214, %lt3A : i32
      %convert_element_type3A_216 = arith.extui %lt3A_215 : i1 to i32
      %cond3A_217 = arith.constant 0 : i32
      %cond3A_218 = arith.cmpi ne, %convert_element_type3A_216, %cond3A_217 : i32
      scf.if %cond3A_218 {
        %mul3A_310 = arith.constant 40 : i32
        %mul3A_311 = arith.muli %add3A_214, %mul3A_310 : i32
        %dma_start3A_312 = tpu.memref_slice %arg6[%mul3A_311] : memref<10000xi32, #tpu.memory_space<vmem>> -> memref<40xi32, #tpu.memory_space<vmem>>
        %dma_start3A_313 = arith.constant 0 : i32
        %dma_start3A_314 = arith.constant 0 : i32
        %dma_start3A_315 = tpu.memref_slice %arg5[%dma_start3A_313, %dma_start3A_314] : memref<10000x128xf32, #tpu.memory_space<vmem_shared>> -> memref<10000x128xf32, #tpu.memory_space<vmem_shared>>
        tpu.enqueue_indirect_dma source(%dma_start3A_315 : memref<10000x128xf32, #tpu.memory_space<vmem_shared>>) target(%arg7 : memref<40x128xf32, #tpu.memory_space<vmem>>) offsets(%dma_start3A_312 : memref<40xi32, #tpu.memory_space<vmem>>) semaphore(%arg15 : memref<!tpu.dma_semaphore, #tpu.memory_space<semaphore_mem>>)
      } else {
      }
      %dma_wait3A_219 = arith.constant 0 : i32
      %dma_wait3A_220 = tpu.memref_slice %arg4[%mul3A_2, %dma_wait3A_219] : memref<320000x128xf32, #tpu.memory_space<hbm>> -> memref<40x128xf32, #tpu.memory_space<hbm>>
      %dma_wait3A_221 = arith.constant 0 : i32
      %dma_wait3A_222 = tpu.memref_slice %arg4[%mul3A_2, %dma_wait3A_221] : memref<320000x128xf32, #tpu.memory_space<hbm>> -> memref<40x128xf32, #tpu.memory_space<hbm>>
      tpu.wait_dma2 semaphore(%arg24 : memref<!tpu.dma_semaphore, #tpu.memory_space<semaphore_mem>>) src(%arg8 : memref<40x128xf32, #tpu.memory_space<vmem>>) dst(%dma_wait3A_222 : memref<40x128xf32, #tpu.memory_space<hbm>>)
      %add3A_223 = arith.constant 8 : i32
      %add3A_224 = arith.addi %mul3A_86, %add3A_223 : i32
      %add3A_225 = arith.constant 1 : i32
      %add3A_226 = arith.addi %add3A_224, %add3A_225 : i32
      %lt3A_227 = arith.constant 250 : i32
      %lt3A_228 = arith.cmpi slt, %add3A_226, %lt3A_227 : i32
      %convert_element_type3A_229 = arith.extui %lt3A_228 : i1 to i32
      %cond3A_230 = arith.constant 0 : i32
      %cond3A_231 = arith.cmpi ne, %convert_element_type3A_229, %cond3A_230 : i32
      scf.if %cond3A_231 {
        %mul3A_310 = arith.constant 40 : i32
        %mul3A_311 = arith.muli %add3A_226, %mul3A_310 : i32
        %dma_start3A_312 = tpu.memref_slice %arg6[%mul3A_311] : memref<10000xi32, #tpu.memory_space<vmem>> -> memref<40xi32, #tpu.memory_space<vmem>>
        %dma_start3A_313 = arith.constant 0 : i32
        %dma_start3A_314 = arith.constant 0 : i32
        %dma_start3A_315 = tpu.memref_slice %arg5[%dma_start3A_313, %dma_start3A_314] : memref<10000x128xf32, #tpu.memory_space<vmem_shared>> -> memref<10000x128xf32, #tpu.memory_space<vmem_shared>>
        tpu.enqueue_indirect_dma source(%dma_start3A_315 : memref<10000x128xf32, #tpu.memory_space<vmem_shared>>) target(%arg8 : memref<40x128xf32, #tpu.memory_space<vmem>>) offsets(%dma_start3A_312 : memref<40xi32, #tpu.memory_space<vmem>>) semaphore(%arg16 : memref<!tpu.dma_semaphore, #tpu.memory_space<semaphore_mem>>)
      } else {
      }
      %dma_wait3A_232 = arith.constant 0 : i32
      %dma_wait3A_233 = tpu.memref_slice %arg4[%mul3A_2, %dma_wait3A_232] : memref<320000x128xf32, #tpu.memory_space<hbm>> -> memref<40x128xf32, #tpu.memory_space<hbm>>
      %dma_wait3A_234 = arith.constant 0 : i32
      %dma_wait3A_235 = tpu.memref_slice %arg4[%mul3A_2, %dma_wait3A_234] : memref<320000x128xf32, #tpu.memory_space<hbm>> -> memref<40x128xf32, #tpu.memory_space<hbm>>
      tpu.wait_dma2 semaphore(%arg25 : memref<!tpu.dma_semaphore, #tpu.memory_space<semaphore_mem>>) src(%arg9 : memref<40x128xf32, #tpu.memory_space<vmem>>) dst(%dma_wait3A_235 : memref<40x128xf32, #tpu.memory_space<hbm>>)
      %add3A_236 = arith.constant 8 : i32
      %add3A_237 = arith.addi %mul3A_86, %add3A_236 : i32
      %add3A_238 = arith.constant 2 : i32
      %add3A_239 = arith.addi %add3A_237, %add3A_238 : i32
      %lt3A_240 = arith.constant 250 : i32
      %lt3A_241 = arith.cmpi slt, %add3A_239, %lt3A_240 : i32
      %convert_element_type3A_242 = arith.extui %lt3A_241 : i1 to i32
      %cond3A_243 = arith.constant 0 : i32
      %cond3A_244 = arith.cmpi ne, %convert_element_type3A_242, %cond3A_243 : i32
      scf.if %cond3A_244 {
        %mul3A_310 = arith.constant 40 : i32
        %mul3A_311 = arith.muli %add3A_239, %mul3A_310 : i32
        %dma_start3A_312 = tpu.memref_slice %arg6[%mul3A_311] : memref<10000xi32, #tpu.memory_space<vmem>> -> memref<40xi32, #tpu.memory_space<vmem>>
        %dma_start3A_313 = arith.constant 0 : i32
        %dma_start3A_314 = arith.constant 0 : i32
        %dma_start3A_315 = tpu.memref_slice %arg5[%dma_start3A_313, %dma_start3A_314] : memref<10000x128xf32, #tpu.memory_space<vmem_shared>> -> memref<10000x128xf32, #tpu.memory_space<vmem_shared>>
        tpu.enqueue_indirect_dma source(%dma_start3A_315 : memref<10000x128xf32, #tpu.memory_space<vmem_shared>>) target(%arg9 : memref<40x128xf32, #tpu.memory_space<vmem>>) offsets(%dma_start3A_312 : memref<40xi32, #tpu.memory_space<vmem>>) semaphore(%arg17 : memref<!tpu.dma_semaphore, #tpu.memory_space<semaphore_mem>>)
      } else {
      }
      %dma_wait3A_245 = arith.constant 0 : i32
      %dma_wait3A_246 = tpu.memref_slice %arg4[%mul3A_2, %dma_wait3A_245] : memref<320000x128xf32, #tpu.memory_space<hbm>> -> memref<40x128xf32, #tpu.memory_space<hbm>>
      %dma_wait3A_247 = arith.constant 0 : i32
      %dma_wait3A_248 = tpu.memref_slice %arg4[%mul3A_2, %dma_wait3A_247] : memref<320000x128xf32, #tpu.memory_space<hbm>> -> memref<40x128xf32, #tpu.memory_space<hbm>>
      tpu.wait_dma2 semaphore(%arg26 : memref<!tpu.dma_semaphore, #tpu.memory_space<semaphore_mem>>) src(%arg10 : memref<40x128xf32, #tpu.memory_space<vmem>>) dst(%dma_wait3A_248 : memref<40x128xf32, #tpu.memory_space<hbm>>)
      %add3A_249 = arith.constant 8 : i32
      %add3A_250 = arith.addi %mul3A_86, %add3A_249 : i32
      %add3A_251 = arith.constant 3 : i32
      %add3A_252 = arith.addi %add3A_250, %add3A_251 : i32
      %lt3A_253 = arith.constant 250 : i32
      %lt3A_254 = arith.cmpi slt, %add3A_252, %lt3A_253 : i32
      %convert_element_type3A_255 = arith.extui %lt3A_254 : i1 to i32
      %cond3A_256 = arith.constant 0 : i32
      %cond3A_257 = arith.cmpi ne, %convert_element_type3A_255, %cond3A_256 : i32
      scf.if %cond3A_257 {
        %mul3A_310 = arith.constant 40 : i32
        %mul3A_311 = arith.muli %add3A_252, %mul3A_310 : i32
        %dma_start3A_312 = tpu.memref_slice %arg6[%mul3A_311] : memref<10000xi32, #tpu.memory_space<vmem>> -> memref<40xi32, #tpu.memory_space<vmem>>
        %dma_start3A_313 = arith.constant 0 : i32
        %dma_start3A_314 = arith.constant 0 : i32
        %dma_start3A_315 = tpu.memref_slice %arg5[%dma_start3A_313, %dma_start3A_314] : memref<10000x128xf32, #tpu.memory_space<vmem_shared>> -> memref<10000x128xf32, #tpu.memory_space<vmem_shared>>
        tpu.enqueue_indirect_dma source(%dma_start3A_315 : memref<10000x128xf32, #tpu.memory_space<vmem_shared>>) target(%arg10 : memref<40x128xf32, #tpu.memory_space<vmem>>) offsets(%dma_start3A_312 : memref<40xi32, #tpu.memory_space<vmem>>) semaphore(%arg18 : memref<!tpu.dma_semaphore, #tpu.memory_space<semaphore_mem>>)
      } else {
      }
      %dma_wait3A_258 = arith.constant 0 : i32
      %dma_wait3A_259 = tpu.memref_slice %arg4[%mul3A_2, %dma_wait3A_258] : memref<320000x128xf32, #tpu.memory_space<hbm>> -> memref<40x128xf32, #tpu.memory_space<hbm>>
      %dma_wait3A_260 = arith.constant 0 : i32
      %dma_wait3A_261 = tpu.memref_slice %arg4[%mul3A_2, %dma_wait3A_260] : memref<320000x128xf32, #tpu.memory_space<hbm>> -> memref<40x128xf32, #tpu.memory_space<hbm>>
      tpu.wait_dma2 semaphore(%arg27 : memref<!tpu.dma_semaphore, #tpu.memory_space<semaphore_mem>>) src(%arg11 : memref<40x128xf32, #tpu.memory_space<vmem>>) dst(%dma_wait3A_261 : memref<40x128xf32, #tpu.memory_space<hbm>>)
      %add3A_262 = arith.constant 8 : i32
      %add3A_263 = arith.addi %mul3A_86, %add3A_262 : i32
      %add3A_264 = arith.constant 4 : i32
      %add3A_265 = arith.addi %add3A_263, %add3A_264 : i32
      %lt3A_266 = arith.constant 250 : i32
      %lt3A_267 = arith.cmpi slt, %add3A_265, %lt3A_266 : i32
      %convert_element_type3A_268 = arith.extui %lt3A_267 : i1 to i32
      %cond3A_269 = arith.constant 0 : i32
      %cond3A_270 = arith.cmpi ne, %convert_element_type3A_268, %cond3A_269 : i32
      scf.if %cond3A_270 {
        %mul3A_310 = arith.constant 40 : i32
        %mul3A_311 = arith.muli %add3A_265, %mul3A_310 : i32
        %dma_start3A_312 = tpu.memref_slice %arg6[%mul3A_311] : memref<10000xi32, #tpu.memory_space<vmem>> -> memref<40xi32, #tpu.memory_space<vmem>>
        %dma_start3A_313 = arith.constant 0 : i32
        %dma_start3A_314 = arith.constant 0 : i32
        %dma_start3A_315 = tpu.memref_slice %arg5[%dma_start3A_313, %dma_start3A_314] : memref<10000x128xf32, #tpu.memory_space<vmem_shared>> -> memref<10000x128xf32, #tpu.memory_space<vmem_shared>>
        tpu.enqueue_indirect_dma source(%dma_start3A_315 : memref<10000x128xf32, #tpu.memory_space<vmem_shared>>) target(%arg11 : memref<40x128xf32, #tpu.memory_space<vmem>>) offsets(%dma_start3A_312 : memref<40xi32, #tpu.memory_space<vmem>>) semaphore(%arg19 : memref<!tpu.dma_semaphore, #tpu.memory_space<semaphore_mem>>)
      } else {
      }
      %dma_wait3A_271 = arith.constant 0 : i32
      %dma_wait3A_272 = tpu.memref_slice %arg4[%mul3A_2, %dma_wait3A_271] : memref<320000x128xf32, #tpu.memory_space<hbm>> -> memref<40x128xf32, #tpu.memory_space<hbm>>
      %dma_wait3A_273 = arith.constant 0 : i32
      %dma_wait3A_274 = tpu.memref_slice %arg4[%mul3A_2, %dma_wait3A_273] : memref<320000x128xf32, #tpu.memory_space<hbm>> -> memref<40x128xf32, #tpu.memory_space<hbm>>
      tpu.wait_dma2 semaphore(%arg28 : memref<!tpu.dma_semaphore, #tpu.memory_space<semaphore_mem>>) src(%arg12 : memref<40x128xf32, #tpu.memory_space<vmem>>) dst(%dma_wait3A_274 : memref<40x128xf32, #tpu.memory_space<hbm>>)
      %add3A_275 = arith.constant 8 : i32
      %add3A_276 = arith.addi %mul3A_86, %add3A_275 : i32
      %add3A_277 = arith.constant 5 : i32
      %add3A_278 = arith.addi %add3A_276, %add3A_277 : i32
      %lt3A_279 = arith.constant 250 : i32
      %lt3A_280 = arith.cmpi slt, %add3A_278, %lt3A_279 : i32
      %convert_element_type3A_281 = arith.extui %lt3A_280 : i1 to i32
      %cond3A_282 = arith.constant 0 : i32
      %cond3A_283 = arith.cmpi ne, %convert_element_type3A_281, %cond3A_282 : i32
      scf.if %cond3A_283 {
        %mul3A_310 = arith.constant 40 : i32
        %mul3A_311 = arith.muli %add3A_278, %mul3A_310 : i32
        %dma_start3A_312 = tpu.memref_slice %arg6[%mul3A_311] : memref<10000xi32, #tpu.memory_space<vmem>> -> memref<40xi32, #tpu.memory_space<vmem>>
        %dma_start3A_313 = arith.constant 0 : i32
        %dma_start3A_314 = arith.constant 0 : i32
        %dma_start3A_315 = tpu.memref_slice %arg5[%dma_start3A_313, %dma_start3A_314] : memref<10000x128xf32, #tpu.memory_space<vmem_shared>> -> memref<10000x128xf32, #tpu.memory_space<vmem_shared>>
        tpu.enqueue_indirect_dma source(%dma_start3A_315 : memref<10000x128xf32, #tpu.memory_space<vmem_shared>>) target(%arg12 : memref<40x128xf32, #tpu.memory_space<vmem>>) offsets(%dma_start3A_312 : memref<40xi32, #tpu.memory_space<vmem>>) semaphore(%arg20 : memref<!tpu.dma_semaphore, #tpu.memory_space<semaphore_mem>>)
      } else {
      }
      %dma_wait3A_284 = arith.constant 0 : i32
      %dma_wait3A_285 = tpu.memref_slice %arg4[%mul3A_2, %dma_wait3A_284] : memref<320000x128xf32, #tpu.memory_space<hbm>> -> memref<40x128xf32, #tpu.memory_space<hbm>>
      %dma_wait3A_286 = arith.constant 0 : i32
      %dma_wait3A_287 = tpu.memref_slice %arg4[%mul3A_2, %dma_wait3A_286] : memref<320000x128xf32, #tpu.memory_space<hbm>> -> memref<40x128xf32, #tpu.memory_space<hbm>>
      tpu.wait_dma2 semaphore(%arg29 : memref<!tpu.dma_semaphore, #tpu.memory_space<semaphore_mem>>) src(%arg13 : memref<40x128xf32, #tpu.memory_space<vmem>>) dst(%dma_wait3A_287 : memref<40x128xf32, #tpu.memory_space<hbm>>)
      %add3A_288 = arith.constant 8 : i32
      %add3A_289 = arith.addi %mul3A_86, %add3A_288 : i32
      %add3A_290 = arith.constant 6 : i32
      %add3A_291 = arith.addi %add3A_289, %add3A_290 : i32
      %lt3A_292 = arith.constant 250 : i32
      %lt3A_293 = arith.cmpi slt, %add3A_291, %lt3A_292 : i32
      %convert_element_type3A_294 = arith.extui %lt3A_293 : i1 to i32
      %cond3A_295 = arith.constant 0 : i32
      %cond3A_296 = arith.cmpi ne, %convert_element_type3A_294, %cond3A_295 : i32
      scf.if %cond3A_296 {
        %mul3A_310 = arith.constant 40 : i32
        %mul3A_311 = arith.muli %add3A_291, %mul3A_310 : i32
        %dma_start3A_312 = tpu.memref_slice %arg6[%mul3A_311] : memref<10000xi32, #tpu.memory_space<vmem>> -> memref<40xi32, #tpu.memory_space<vmem>>
        %dma_start3A_313 = arith.constant 0 : i32
        %dma_start3A_314 = arith.constant 0 : i32
        %dma_start3A_315 = tpu.memref_slice %arg5[%dma_start3A_313, %dma_start3A_314] : memref<10000x128xf32, #tpu.memory_space<vmem_shared>> -> memref<10000x128xf32, #tpu.memory_space<vmem_shared>>
        tpu.enqueue_indirect_dma source(%dma_start3A_315 : memref<10000x128xf32, #tpu.memory_space<vmem_shared>>) target(%arg13 : memref<40x128xf32, #tpu.memory_space<vmem>>) offsets(%dma_start3A_312 : memref<40xi32, #tpu.memory_space<vmem>>) semaphore(%arg21 : memref<!tpu.dma_semaphore, #tpu.memory_space<semaphore_mem>>)
      } else {
      }
      %dma_wait3A_297 = arith.constant 0 : i32
      %dma_wait3A_298 = tpu.memref_slice %arg4[%mul3A_2, %dma_wait3A_297] : memref<320000x128xf32, #tpu.memory_space<hbm>> -> memref<40x128xf32, #tpu.memory_space<hbm>>
      %dma_wait3A_299 = arith.constant 0 : i32
      %dma_wait3A_300 = tpu.memref_slice %arg4[%mul3A_2, %dma_wait3A_299] : memref<320000x128xf32, #tpu.memory_space<hbm>> -> memref<40x128xf32, #tpu.memory_space<hbm>>
      tpu.wait_dma2 semaphore(%arg30 : memref<!tpu.dma_semaphore, #tpu.memory_space<semaphore_mem>>) src(%arg14 : memref<40x128xf32, #tpu.memory_space<vmem>>) dst(%dma_wait3A_300 : memref<40x128xf32, #tpu.memory_space<hbm>>)
      %add3A_301 = arith.constant 8 : i32
      %add3A_302 = arith.addi %mul3A_86, %add3A_301 : i32
      %add3A_303 = arith.constant 7 : i32
      %add3A_304 = arith.addi %add3A_302, %add3A_303 : i32
      %lt3A_305 = arith.constant 250 : i32
      %lt3A_306 = arith.cmpi slt, %add3A_304, %lt3A_305 : i32
      %convert_element_type3A_307 = arith.extui %lt3A_306 : i1 to i32
      %cond3A_308 = arith.constant 0 : i32
      %cond3A_309 = arith.cmpi ne, %convert_element_type3A_307, %cond3A_308 : i32
      scf.if %cond3A_309 {
        %mul3A_310 = arith.constant 40 : i32
        %mul3A_311 = arith.muli %add3A_304, %mul3A_310 : i32
        %dma_start3A_312 = tpu.memref_slice %arg6[%mul3A_311] : memref<10000xi32, #tpu.memory_space<vmem>> -> memref<40xi32, #tpu.memory_space<vmem>>
        %dma_start3A_313 = arith.constant 0 : i32
        %dma_start3A_314 = arith.constant 0 : i32
        %dma_start3A_315 = tpu.memref_slice %arg5[%dma_start3A_313, %dma_start3A_314] : memref<10000x128xf32, #tpu.memory_space<vmem_shared>> -> memref<10000x128xf32, #tpu.memory_space<vmem_shared>>
        tpu.enqueue_indirect_dma source(%dma_start3A_315 : memref<10000x128xf32, #tpu.memory_space<vmem_shared>>) target(%arg14 : memref<40x128xf32, #tpu.memory_space<vmem>>) offsets(%dma_start3A_312 : memref<40xi32, #tpu.memory_space<vmem>>) semaphore(%arg22 : memref<!tpu.dma_semaphore, #tpu.memory_space<semaphore_mem>>)
      } else {
      }
    }
    %scan3A_52 = arith.constant 31 : i32
    %dma_wait3A = arith.constant 0 : i32
    %dma_wait3A_53 = arith.constant 0 : i32
    %dma_wait3A_54 = tpu.memref_slice %arg2[%dma_wait3A, %dma_wait3A_53] : memref<10000x128xf32, #tpu.memory_space<hbm>> -> memref<40x128xf32, #tpu.memory_space<hbm>>
    %dma_wait3A_55 = arith.constant 0 : i32
    %dma_wait3A_56 = arith.constant 0 : i32
    %dma_wait3A_57 = tpu.memref_slice %arg2[%dma_wait3A_55, %dma_wait3A_56] : memref<10000x128xf32, #tpu.memory_space<hbm>> -> memref<40x128xf32, #tpu.memory_space<hbm>>
    tpu.wait_dma2 semaphore(%arg15 : memref<!tpu.dma_semaphore, #tpu.memory_space<semaphore_mem>>) src(%dma_wait3A_57 : memref<40x128xf32, #tpu.memory_space<hbm>>) dst(%arg7 : memref<40x128xf32, #tpu.memory_space<vmem>>)
    %add3A_58 = arith.constant 9920 : i32
    %add3A_59 = arith.addi %mul3A_2, %add3A_58 : i32
    %dma_start3A_60 = arith.constant 0 : i32
    %dma_start3A_61 = tpu.memref_slice %arg4[%add3A_59, %dma_start3A_60] : memref<320000x128xf32, #tpu.memory_space<hbm>> -> memref<40x128xf32, #tpu.memory_space<hbm>>
    %dma_start3A_62 = arith.constant 0 : i32
    %dma_start3A_63 = tpu.memref_slice %arg4[%add3A_59, %dma_start3A_62] : memref<320000x128xf32, #tpu.memory_space<hbm>> -> memref<40x128xf32, #tpu.memory_space<hbm>>
    tpu.enqueue_dma source(%arg7 : memref<40x128xf32, #tpu.memory_space<vmem>>) target(%dma_start3A_63 : memref<40x128xf32, #tpu.memory_space<hbm>>) target_semaphore(%arg23 : memref<!tpu.dma_semaphore, #tpu.memory_space<semaphore_mem>>)
    %dma_wait3A_64 = arith.constant 0 : i32
    %dma_wait3A_65 = tpu.memref_slice %arg4[%mul3A_2, %dma_wait3A_64] : memref<320000x128xf32, #tpu.memory_space<hbm>> -> memref<40x128xf32, #tpu.memory_space<hbm>>
    %dma_wait3A_66 = arith.constant 0 : i32
    %dma_wait3A_67 = tpu.memref_slice %arg4[%mul3A_2, %dma_wait3A_66] : memref<320000x128xf32, #tpu.memory_space<hbm>> -> memref<40x128xf32, #tpu.memory_space<hbm>>
    tpu.wait_dma2 semaphore(%arg23 : memref<!tpu.dma_semaphore, #tpu.memory_space<semaphore_mem>>) src(%arg7 : memref<40x128xf32, #tpu.memory_space<vmem>>) dst(%dma_wait3A_67 : memref<40x128xf32, #tpu.memory_space<hbm>>)
    %dma_wait3A_68 = arith.constant 0 : i32
    %dma_wait3A_69 = arith.constant 0 : i32
    %dma_wait3A_70 = tpu.memref_slice %arg2[%dma_wait3A_68, %dma_wait3A_69] : memref<10000x128xf32, #tpu.memory_space<hbm>> -> memref<40x128xf32, #tpu.memory_space<hbm>>
    %dma_wait3A_71 = arith.constant 0 : i32
    %dma_wait3A_72 = arith.constant 0 : i32
    %dma_wait3A_73 = tpu.memref_slice %arg2[%dma_wait3A_71, %dma_wait3A_72] : memref<10000x128xf32, #tpu.memory_space<hbm>> -> memref<40x128xf32, #tpu.memory_space<hbm>>
    tpu.wait_dma2 semaphore(%arg16 : memref<!tpu.dma_semaphore, #tpu.memory_space<semaphore_mem>>) src(%dma_wait3A_73 : memref<40x128xf32, #tpu.memory_space<hbm>>) dst(%arg8 : memref<40x128xf32, #tpu.memory_space<vmem>>)
    %add3A_74 = arith.constant 9960 : i32
    %add3A_75 = arith.addi %mul3A_2, %add3A_74 : i32
    %dma_start3A_76 = arith.constant 0 : i32
    %dma_start3A_77 = tpu.memref_slice %arg4[%add3A_75, %dma_start3A_76] : memref<320000x128xf32, #tpu.memory_space<hbm>> -> memref<40x128xf32, #tpu.memory_space<hbm>>
    %dma_start3A_78 = arith.constant 0 : i32
    %dma_start3A_79 = tpu.memref_slice %arg4[%add3A_75, %dma_start3A_78] : memref<320000x128xf32, #tpu.memory_space<hbm>> -> memref<40x128xf32, #tpu.memory_space<hbm>>
    tpu.enqueue_dma source(%arg8 : memref<40x128xf32, #tpu.memory_space<vmem>>) target(%dma_start3A_79 : memref<40x128xf32, #tpu.memory_space<hbm>>) target_semaphore(%arg24 : memref<!tpu.dma_semaphore, #tpu.memory_space<semaphore_mem>>)
    %dma_wait3A_80 = arith.constant 0 : i32
    %dma_wait3A_81 = tpu.memref_slice %arg4[%mul3A_2, %dma_wait3A_80] : memref<320000x128xf32, #tpu.memory_space<hbm>> -> memref<40x128xf32, #tpu.memory_space<hbm>>
    %dma_wait3A_82 = arith.constant 0 : i32
    %dma_wait3A_83 = tpu.memref_slice %arg4[%mul3A_2, %dma_wait3A_82] : memref<320000x128xf32, #tpu.memory_space<hbm>> -> memref<40x128xf32, #tpu.memory_space<hbm>>
    tpu.wait_dma2 semaphore(%arg24 : memref<!tpu.dma_semaphore, #tpu.memory_space<semaphore_mem>>) src(%arg8 : memref<40x128xf32, #tpu.memory_space<vmem>>) dst(%dma_wait3A_83 : memref<40x128xf32, #tpu.memory_space<hbm>>)
    return
  }
}

</mosaic_0001>

<sc_bundles>
// kernel: _sc_gather.3.cloned.1.call-start
scs
__scs_entry_jumppad:
0x0: {  	(pc) =	sbr.rel $0x88, $3  }
0x1: {  	(tag) =	ssettag $0x0;
	lr =	simm.s32 $0x1  }
0x2: {  	[smem:$0x3F9F] =	sst lr;
	_ =	strace $0xD0000000  }
0x3: {  	_ = 	snop  }
0x4: {  	_ = 	snop  }
0x5: {  	_ = 	snop  }
0x6: {  	_ = 	snop  }
0x7: {  	_ = 	snop  }
__scs_overlays_trampoline_lowered:
0x8: {  	[smem:$0x3FAE] =	sst s0  }
0x9: {  	[smem:$0x3FAF] =	sst s1  }
0xa: {  	[smem:$0x3FB0] =	sst s2  }
0xb: {  	[smem:$0x3FB1] =	sst s3  }
0xc: {  	[smem:$0x3FB2] =	sst s4  }
0xd: {  	[smem:$0x3FB3] =	sst s5  }
0xe: {  	[smem:$0x3FB4] =	sst s6  }
0xf: {  	[smem:$0x3FB5] =	sst s7  }
0x10: {  	[smem:$0x3FB6] =	sst s8  }
0x11: {  	[smem:$0x3FB7] =	sst s9;
	s0 =	simm.s32 @!p0 $0x0  }
0x12: {  	s1 =	sld [smem:$0x3F9D];
	s0 =	simm.s32 @p0 $0x1  }
0x13: {  	[smem:$0x3FB8] =	sst s0;
	s0 =	simm.s32 @!p1 $0x0  }
0x14: {  	s2 =	sld [smem:$0x3F9C];
	s0 =	simm.s32 @p1 $0x1  }
0x15: {  	[smem:$0x3FB9] =	sst s0;
	s0 =	simm.s32 @!p2 $0x0  }
0x16: {  	s3 =	sld [smem:$0x3FDB];
	s0 =	simm.s32 @p2 $0x1  }
0x17: {  	s4 =	simm.s32 $0x1BF5;
	[smem:$0x3FBB] =	sst s0  }
0x18: {  	s0 =	sld [smem:$0x3F9E];
	_ =	swait.ge [sflag:s4], $0x0  }
0x19: {  	s7 =	sld [smem:$0x3F9F]  }
0x1a: {  	s8 =	sadd.s32 $0xFFFFE003, lr  }
0x1b: {  	s9 =	sadd.s32 $0xFFFFFEF7, lr;
	s5 =	simm.s32 $0xFFFFFFFF;
	p2 =	slt.u32 s8, $0xFFFFF086  }
0x1c: {  	p1 =	slt.u32 s9, $0xF7A;
	s5 =	simm.s32 @!p2 $0x0  }
0x1d: {  	s5 =	simm.s32 @p1 $0x1;
	p0 =	seq.s32 s7, s2  }
0x1e: {  	s7 =	smul.u32 @!p0 $0xF7A, s2;
	p2 =	seq.s32 @!p0 s5, $0x0  }
0x1f: {  	s9 =	smul.u32 $0xF7A, s1;
	s8 =	simm.s32 @!p0 $0x1BF5;
	p2 =	por !p2, p0  }
0x20: {  	[sflag:s8] =	ssyncset.s32 @!p0 $0xFFFFF086;
	s6 =	sadd.s32 @!p0 s3, s7;
	s7 =	simm.s32 @!p0 $0x108  }
0x21: {  	s3 =	sadd.s32 s3, s9;
	s6 =	sadd.s32 @!p0 $0x88, s6;
	s7 =	simm.s32 @p2 $0x1082  }
0x22: {  	[simem:s7], [sflag:s8] =	dma.local @!p0 [hbm:s6], $0xF7A  }
0x23: {  	s9 =	sor.u32 $0xD0000000, s2;
	s6 =	simm.s32 $0x108;
	_ =	swait.ge @!p0 [sflag:s8], $0x0  }
0x24: {  	s3 =	sadd.s32 $0x88, s3;
	s6 =	simm.s32 @!p1 $0x1082;
	[sflag:s4] =	ssyncset.s32 $0xFFFFF086  }
0x25: {  	[simem:s6], [sflag:s4] =	dma.local [hbm:s3], $0xF7A  }
0x26: {  	[smem:$0x3F9F] =	sst s1;
	(tag) =	ssettag s2;
	_ =	strace s9  }
0x27: {  	s1 =	sld [smem:$0x3FAF]  }
0x28: {  	s2 =	sld [smem:$0x3FB0]  }
0x29: {  	s4 =	sld [smem:$0x3FB2]  }
0x2a: {  	p0 =	seq.s32 s5, $0x0;
	s5 =	sld [smem:$0x3FB3]  }
0x2b: {  	s6 =	sld [smem:$0x3FB4]  }
0x2c: {  	s7 =	sld [smem:$0x3FB5]  }
0x2d: {  	s3 =	simm.s32 $0x108;
	s8 =	sld [smem:$0x3FB6]  }
0x2e: {  	s3 =	simm.s32 @!p0 $0x1082;
	s9 =	sld [smem:$0x3FB7]  }
0x2f: {  	lr =	sadd.s32 s0, s3;
	s0 =	sld [smem:$0x3FAE]  }
0x30: {  	s3 =	sld [smem:$0x3FB1]  }
0x31: {  	[smem:$0x3FBA] =	sst s10  }
0x32: {  	s10 =	sld [smem:$0x3FB8];
	_ =	sdelay $0x3  }
0x33: {  	p0 =	seq.s32 s10, $0x1;
	s10 =	sld [smem:$0x3FBA];
	_ =	sdelay $0x3  }
0x34: {  	[smem:$0x3FBA] =	sst s10  }
0x35: {  	s10 =	sld [smem:$0x3FB9];
	_ =	sdelay $0x3  }
0x36: {  	p1 =	seq.s32 s10, $0x1;
	s10 =	sld [smem:$0x3FBA];
	_ =	sdelay $0x3  }
0x37: {  	[smem:$0x3FBA] =	sst s10  }
0x38: {  	s10 =	sld [smem:$0x3FBB]  }
0x39: {  	_ = 	snop;
	(pc) =	sbr.ind lr, $3  }
0x3a: {  	_ = 	snop  }
0x3b: {  	_ = 	snop  }
0x3c: {  	p2 =	seq.s32 s10, $0x1;
	s10 =	sld [smem:$0x3FBA]  }
0x3d: {  	_ =	shalt  }
0x3e: {  	_ =	shalt  }
0x3f: {  	_ =	shalt  }
0x40: {  	_ =	shalt  }
0x41: {  	_ =	shalt  }
0x42: {  	_ =	shalt  }
0x43: {  	_ =	shalt  }
0x44: {  	_ =	shalt  }
0x45: {  	_ =	shalt  }
0x46: {  	_ =	shalt  }
0x47: {  	_ =	shalt  }
0x48: {  	_ =	shalt  }
0x49: {  	_ =	shalt  }
0x4a: {  	_ =	shalt  }
0x4b: {  	_ =	shalt  }
0x4c: {  	_ =	shalt  }
0x4d: {  	_ =	shalt  }
0x4e: {  	_ =	shalt  }
0x4f: {  	_ =	shalt  }
0x50: {  	_ =	shalt  }
0x51: {  	_ =	shalt  }
0x52: {  	_ =	shalt  }
0x53: {  	_ =	shalt  }
0x54: {  	_ =	shalt  }
0x55: {  	_ =	shalt  }
0x56: {  	_ =	shalt  }
0x57: {  	_ =	shalt  }
0x58: {  	_ =	shalt  }
0x59: {  	_ =	shalt  }
0x5a: {  	_ =	shalt  }
0x5b: {  	_ =	shalt  }
0x5c: {  	_ =	shalt  }
0x5d: {  	_ =	shalt  }
0x5e: {  	_ =	shalt  }
0x5f: {  	_ =	shalt  }
0x60: {  	_ =	shalt  }
0x61: {  	_ =	shalt  }
0x62: {  	_ =	shalt  }
0x63: {  	_ =	shalt  }
0x64: {  	_ =	shalt  }
0x65: {  	_ =	shalt  }
0x66: {  	_ =	shalt  }
0x67: {  	_ =	shalt  }
0x68: {  	_ =	shalt  }
0x69: {  	_ =	shalt  }
0x6a: {  	_ =	shalt  }
0x6b: {  	_ =	shalt  }
0x6c: {  	_ =	shalt  }
0x6d: {  	_ =	shalt  }
0x6e: {  	_ =	shalt  }
0x6f: {  	_ =	shalt  }
0x70: {  	_ =	shalt  }
0x71: {  	_ =	shalt  }
0x72: {  	_ =	shalt  }
0x73: {  	_ =	shalt  }
0x74: {  	_ =	shalt  }
0x75: {  	_ =	shalt  }
0x76: {  	_ =	shalt  }
0x77: {  	_ =	shalt  }
0x78: {  	_ =	shalt  }
0x79: {  	_ =	shalt  }
0x7a: {  	_ =	shalt  }
0x7b: {  	_ =	shalt  }
0x7c: {  	_ =	shalt  }
0x7d: {  	_ =	shalt  }
0x7e: {  	_ =	shalt  }
0x7f: {  	_ =	shalt  }
0x80: {  	_ =	shalt  }
0x81: {  	_ =	shalt  }
0x82: {  	_ =	shalt  }
0x83: {  	_ =	shalt  }
0x84: {  	_ =	shalt  }
0x85: {  	_ =	shalt  }
0x86: {  	_ =	shalt  }
0x87: {  	_ =	shalt  }
.Lfunc_end0:
.L_simem_size_0:
called_computation_lowered:
.L_overlay_start_0:
0x88: {  	s2 =	sld [smem:$0x3FD9]  }
0x89: {  	s3 =	sld [smem:$0x3FFE];
	_ =	sdelay $0x1  }
0x8a: {  	s1 =	srdreg.scid  }
0x8b: {  	s0 =	sand.u32 $0x1, s1  }
0x8c: {  	s18 =	sshll.u32 s0, $0xA;
	s2 =	sadd.s32 s3, s2  }
0x8d: {  	s2 =	sadd.s32 s2, s18  }
0x8e: {  	[smem:$0x3FC6] =	sst s2  }
0x8f: {  	_ = 	snop  }
0x90: {  	s2 =	sld [smem:$0x3FC9]  }
0x91: {  	s19 =	sld [smem:$0x3FC8]  }
0x92: {  	s4 =	sld [smem:$0x3FD0];
	(tm) =	ssettm $0x1  }
0x93: {  	s5 =	sld [smem:$0x3FFB];
	_ =	sdelay $0x3  }
0x94: {  	_ =	strace s5  }
0x95: {  	s5 =	sld [smem:$0x3FFC];
	_ =	sdelay $0x3  }
0x96: {  	_ =	strace s5  }
0x97: {  	s5 =	sld [smem:$0x3FFD];
	_ =	sdelay $0x3  }
0x98: {  	_ =	strace s5  }
0x99: {  	_ =	strace $0x8FFFFFFF  }
0x9a: {  	s20 =	sld [smem:$0x3FDB];
	_ =	sdelay $0x1  }
0x9b: {  	s6 =	simm.s32 $_scs_section_size  }
0x9c: {  	s7 =	simm.s32 $_size__tile_overlayer_lowered;
	s8 =	simm.s32 $_tile_overlayer_lowered  }
0x9d: {  	s23 =	simm.s32 $0x1BFF;
	s22 =	sshll.u32 s8, $0x1;
	s5 =	sadd.s32 s6, s20  }
0x9e: {  	s9 =	simm.s32 $0x0;
	s21 =	sshll.u32 s7, $0x1;
	s7 =	sadd.s32 s22, s5  }
0x9f: {  	[timem:s9], [sflag:s23] =	dma.local [hbm:s7], s21  }
0xa0: {  	_ =	swait.ge [sflag:s23], s21  }
0xa1: {  	s6 =	ssub.s32 $0x0, s21;
	[sflag:s23] =	ssyncset.done $0x0  }
0xa2: {  	[sflag:s23] =	ssyncadd.s32 s6;
	_ =	sdelay $0x1  }
0xa3: {  	s24 =	simm.s32 $0x1B8B  }
0xa4: {  	_ =	swait.ge [sflag:s24], $0x1  }
0xa5: {  	[sflag:s24] =	ssyncset.done $0x0  }
0xa6: {  	s25 =	simm.s32 $0x1B8E;
	[sflag:s24] =	ssyncadd.s32 $0xFFFFFFFF  }
0xa7: {  	s26 =	simm.s32 $execute0_lowered;
	[smem:$0x3FD2] =	sst s25  }
0xa8: {  	s6 =	sshll.u32 s26, $0x1;
	_ =	strace $0x80000046;
	[dreg:$0x1] =	wrdreg $0xFFFFFFFF  }
0xa9: {  	s28 =	simm.s32 $_size_execute0_lowered;
	s5 =	sadd.s32 s5, s6;
	[dreg:$0x0] =	wrdreg $0x0  }
0xaa: {  	s6 =	sshll.u32 s28, $0x1;
	[dreg:$0x2] =	wrdreg s5  }
0xab: {  	[dreg:$0x3] =	wrdreg s6  }
0xac: {  	[dreg:$0x4] =	wrdreg $0xC0  }
0xad: {  	_ =	task [dreg:s9], $0x5FFFF  }
0xae: {  	[dreg:$0x1] =	wrdreg $0xFFFFFFFF  }
0xaf: {  	[dreg:$0x0] =	wrdreg $0x60  }
0xb0: {  	[dreg:$0x2] =	wrdreg s2  }
0xb1: {  	[dreg:$0x3] =	wrdreg s19  }
0xb2: {  	[dreg:$0x4] =	wrdreg s4  }
0xb3: {  	[dreg:$0x5] =	wrdreg $0x0  }
0xb4: {  	[dreg:$0x6] =	wrdreg $0x9  }
0xb5: {  	_ =	task.clear_ibuf [dreg:s9], $0x7FFFF;
	_ =	strace $0x90000046  }
0xb6: {  	s29 =	simm.s32 $0x9;
	_ =	strace $0x80000048  }
0xb7: {  	_ =	swait.ge [sflag:s29], $0x1  }
0xb8: {  	[sflag:s29] =	ssyncadd.s32 $0xFFFFFFFF  }
0xb9: {  	_ =	strace $0x90000048  }
0xba: {  	_ =	sfence  }
0xbb: {  	s30 =	sld [smem:$0x0];
	_ =	sdelay $0x2  }
0xbc: {  	s31 =	sshll.u32 s1, $0xD;
	s1 =	sshrl.u32 s1, $0x2  }
0xbd: {  	s3 =	sand.u32 $0x4000, s31;
	s1 =	sadd.s32 s1, s30  }
0xbe: {  	s0 =	sor.u32 s3, s0;
	s1 =	sshll.u32 s1, $0x11  }
0xbf: {  	s0 =	sor.u32 s1, s0  }
0xc0: {  	s0 =	sadd.s32 $0x8F2B, s0  }
0xc1: {  	[sflag:s0] =	ssyncadd.remote.s32 $0x1  }
0xc2: {  	_ =	sfence.sel $0xFFFF  }
0xc3: {  	[dreg:$0x0] =	wrdreg $0xFFFFFFFF;
	(pc) =	sbr.abs _section_cstart, $3  }
0xc4: {  	[dreg:$0x1] =	wrdreg $0xFFFFFFFF  }
0xc5: {  	_ =	task.clear_ibuf [dreg:s9], $0x2FFFF;
	_ =	strace $0x9FFFFFFF  }
0xc6: {  	(tm) =	ssettm $0x7FFFFFFF  }
0xc7: {  	_ =	shalt  }
tec
execute0_lowered:
.L_overlay_start_1:
0x0: {  	(tag) =	ssettag $0x1  }
0x1: {  	s11 =	rddreg [dreg:$0x0]  }
0x2: {  	s0 =	rddreg [dreg:$0x1];
	s1 =	srdreg.scid  }
0x3: {  	s12 =	stileid.u32;
	s2 =	rddreg [dreg:$0x2]  }
0x4: {  	s3 =	rddreg [dreg:$0x3];
	s14 =	simm.s32 $0x28;
	s15 =	simm.s32 $0x16000  }
0x5: {  	s17 =	simm.s32 $0x17400;
	s19 =	simm.s32 $0x18800;
	s28 =	simm.s32 $0x1C400  }
0x6: {  	s30 =	simm.s32 $0x1D800;
	s16 =	simm.s32 $0x2;
	s18 =	simm.s32 $0x3  }
0x7: {  	s20 =	simm.s32 $0x4;
	s29 =	simm.s32 $0x7;
	s7 =	smul.u32 $0x4E000, s12  }
0x8: {  	s31 =	simm.s32 $0x8;
	s1 =	sand.u32 $0x1, s1;
	s9 =	smul.u32 $0x2700, s12  }
0x9: {  	s4 =	sshll.u32 s12, $0x1;
	s23 =	smul.u32 $0x4E200, s12;
	s24 =	sadd.s32 $0x27000, s11  }
0xa: {  	p0 =	sne.s32 s12, $0x0;
	s12 =	simm.s32 $0xF;
	s5 =	sor.u32 s1, s4  }
0xb: {  	s4 =	simm.s32 $0x0;
	s8 =	ssub.s32 $0x2, s1;
	s1 =	smul.u32 $0x27100, s1  }
0xc: {  	s6 =	smul.u32 $0x2710, s5;
	[smem:$0x7FF] =	sst s4;
	s10 =	sshrl.u32 s8, $0x1  }
0xd: {  	s5 =	smul.u32 $0x138800, s5;
	s21 =	sshrl.u32 s7, $0x2;
	s22 =	sadd.s32 s11, s9  }
0xe: {  	s7 =	simm.s32 $0xB;
	s9 =	simm.s32 $0xD;
	s11 =	simm.s32 $0x0  }
0xf: {  	_ =	strace $0x80000047;
	s8 =	ssub.s32 s8, s10;
	[dreg:$0x6] =	wrdreg s22  }
0x10: {  	[dreg:$0x7] =	wrdreg s24;
	s22 =	simm.s32 $0x5;
	s10 =	simm.s32 $0xE  }
0x11: {  	s24 =	simm.s32 $0x10;
	s6 =	sshrl.u32 s6, $0x3;
	s5 =	sshrl.u32 s5, $0x3  }
0x12: {  	s26 =	smax.u32 s8, $0x1;
	s8 =	simm.s32 $0xC;
	s0 =	sadd.s32 s0, s6  }
0x13: {  	s6 =	sadd.s32 $0x138000, s3;
	s5 =	sadd.s32 s2, s5;
	[dreg:$0xa] =	wrdreg s26  }
0x14: {  	s2 =	sadd.s32 s23, s2;
	s23 =	simm.s32 $0x1B000;
	s26 =	simm.s32 $0x6  }
0x15: {  	[dreg:$0x5] =	wrdreg s0;
	s0 =	sadd.s32 s21, s3;
	s25 =	sadd.s32 $0x26C00, s5  }
.Ltmp0:
0x16: {  	s5 =	sadd.s32 $0x26E80, s5;
	[dreg:$0x8] =	wrdreg s25;
	(pc) =	sbr.rel .LBB2_1-.Ltmp0, $4  }
0x17: {  	s1 =	sadd.s32 s1, s2;
	s21 =	simm.s32 $0x19C00;
	[dreg:$0x9] =	wrdreg s5  }
0x18: {  	s2 =	simm.s32 $0x1EC00;
	[dreg:$0xb] =	wrdreg s1;
	s0 =	sshrl.u32 s0, $0x3  }
0x19: {  	s1 =	simm.s32 $0x1;
	[dreg:$0xc] =	wrdreg s0;
	s0 =	sshrl.u32 @!p0 s6, $0x3  }
0x1a: {  	s5 =	simm.s32 $0x9;
	s6 =	simm.s32 $0xA;
	[dreg:$0xd] =	wrdreg s0  }
.LBB2_4:
0x1b: {  	_ =	swait.ge [sflag:s8], $0x1400  }
0x1c: {  	[sflag:s8] =	ssyncset.done $0x0  }
0x1d: {  	[sflag:s8] =	ssyncadd.s32 $0xFFFFEC00  }
0x1e: {  	_ =	swait.ge [sflag:s9], $0x1400  }
0x1f: {  	[sflag:s9] =	ssyncset.done $0x0  }
0x20: {  	[sflag:s9] =	ssyncadd.s32 $0xFFFFEC00  }
0x21: {  	_ =	swait.ge [sflag:s10], $0x1400  }
0x22: {  	[sflag:s10] =	ssyncset.done $0x0  }
0x23: {  	[sflag:s10] =	ssyncadd.s32 $0xFFFFEC00  }
0x24: {  	_ =	swait.ge [sflag:s12], $0x1400  }
0x25: {  	[sflag:s12] =	ssyncset.done $0x0  }
0x26: {  	[sflag:s12] =	ssyncadd.s32 $0xFFFFEC00  }
0x27: {  	_ =	swait.ge [sflag:s24], $0x1400  }
0x28: {  	[sflag:s24] =	ssyncset.done $0x0  }
0x29: {  	[sflag:s24] =	ssyncadd.s32 $0xFFFFEC00  }
0x2a: {  	_ =	swait.ge [sflag:s1], $0x1400  }
0x2b: {  	[sflag:s1] =	ssyncset.done $0x0  }
0x2c: {  	s0 =	rddreg [dreg:$0x8];
	[sflag:s1] =	ssyncadd.s32 $0xFFFFEC00  }
0x2d: {  	[hbm4b:s0+s4] =	stream.linear.scatter [tilespmem:s15], [sflag:$0x9], $0x1400, $0x38;
	v63 =	vld [tilespmem:$0x0]  }
0x2e: {  	_ =	swait.ge [sflag:s5], $0x1400  }
0x2f: {  	[sflag:s5] =	ssyncset.done $0x0  }
0x30: {  	[sflag:s5] =	ssyncadd.s32 $0xFFFFEC00  }
0x31: {  	_ =	swait.ge [sflag:s16], $0x1400  }
0x32: {  	[sflag:s16] =	ssyncset.done $0x0  }
0x33: {  	s13 =	rddreg [dreg:$0x9];
	[sflag:s16] =	ssyncadd.s32 $0xFFFFEC00  }
0x34: {  	[hbm4b:s13+s4] =	stream.linear.scatter [tilespmem:s17], [sflag:$0xA], $0x1400, $0x38;
	v63 =	vld [tilespmem:$0x0]  }
0x35: {  	_ =	swait.ge [sflag:s6], $0x1400  }
0x36: {  	s11 =	rddreg [dreg:$0xe]  }
0x37: {  	s25 =	rddreg [dreg:$0xa];
	s11 =	sadd.s32 $0x1, s11  }
0x38: {  	p1 =	sne.s32 s11, s25  }
.Ltmp1:
0x39: {  	_ = 	snop;
	(pc) =	sbr.rel @!p1 .LBB2_5-.Ltmp1, $3  }
0x3a: {  	_ =	sdelay $0x1  }
0x3b: {  	[sflag:s6] =	ssyncset.done $0x0  }
0x3c: {  	[sflag:s6] =	ssyncadd.s32 $0xFFFFEC00  }
.LBB2_1:
0x3d: {  	[dreg:$0xe] =	wrdreg s11  }
0x3e: {  	s0 =	rddreg [dreg:$0x5];
	s25 =	simm.s32 $0x13880;
	s13 =	simm.s32 $0x11  }
0x3f: {  	[tilespmem:s25], [sflag:$0x11] =	stream.linear.gather [hbm4b:s0+s4], $0x2710, $0x38;
	v63 =	vld [tilespmem:$0x0]  }
0x40: {  	_ =	swait.ge [sflag:s13], $0x2710  }
0x41: {  	[sflag:s13] =	ssyncset.done $0x0  }
0x42: {  	[sflag:s13] =	ssyncadd.s32 $0xFFFFD8F0  }
0x43: {  	s0 =	rddreg [dreg:$0x0]  }
0x44: {  	[tilespmem:s15], [sflag:$0x1] =	stream.indirect.gather [hbm4b:s0+s14], $0x80, s25, s14, $0xb8;
	v63 =	vld [tilespmem:$0x0]  }
0x45: {  	s25 =	simm.s32 $0x138A8  }
0x46: {  	[tilespmem:s17], [sflag:$0x2] =	stream.indirect.gather [hbm4b:s0+s14], $0x80, s25, s14, $0xb8;
	v63 =	vld [tilespmem:$0x0]  }
0x47: {  	s25 =	simm.s32 $0x138D0  }
0x48: {  	[tilespmem:s19], [sflag:$0x3] =	stream.indirect.gather [hbm4b:s0+s14], $0x80, s25, s14, $0xb8;
	v63 =	vld [tilespmem:$0x0]  }
0x49: {  	s25 =	simm.s32 $0x138F8  }
0x4a: {  	[tilespmem:s21], [sflag:$0x4] =	stream.indirect.gather [hbm4b:s0+s14], $0x80, s25, s14, $0xb8;
	v63 =	vld [tilespmem:$0x0]  }
0x4b: {  	s25 =	simm.s32 $0x13920  }
0x4c: {  	[tilespmem:s23], [sflag:$0x5] =	stream.indirect.gather [hbm4b:s0+s14], $0x80, s25, s14, $0xb8;
	v63 =	vld [tilespmem:$0x0]  }
0x4d: {  	s25 =	simm.s32 $0x13948  }
0x4e: {  	[tilespmem:s28], [sflag:$0x6] =	stream.indirect.gather [hbm4b:s0+s14], $0x80, s25, s14, $0xb8;
	v63 =	vld [tilespmem:$0x0]  }
0x4f: {  	s25 =	simm.s32 $0x13970  }
0x50: {  	[tilespmem:s30], [sflag:$0x7] =	stream.indirect.gather [hbm4b:s0+s14], $0x80, s25, s14, $0xb8;
	v63 =	vld [tilespmem:$0x0]  }
0x51: {  	s25 =	simm.s32 $0x13998  }
0x52: {  	[tilespmem:s2], [sflag:$0x8] =	stream.indirect.gather [hbm4b:s0+s14], $0x80, s25, s14, $0xb8;
	v63 =	vld [tilespmem:$0x0]  }
0x53: {  	s25 =	stileid.u32  }
0x54: {  	s11 =	rddreg [dreg:$0x6];
	s0 =	sshll.u32 s25, $0x6  }
0x55: {  	s25 =	rddreg [dreg:$0xc];
	s0 =	sor.u32 $0x1C11, s0  }
0x56: {  	[spmem:s25], [sflag:s0] =	dma.local [hbm:s11], $0x2700  }
0x57: {  	_ =	swait.ge [sflag:s13], $0x2700  }
0x58: {  	[sflag:s13] =	ssyncset.done $0x0;
	s11 =	rddreg [dreg:$0x7]  }
0x59: {  	[sflag:s13] =	ssyncadd.s32 $0xFFFFD900;
	s13 =	rddreg [dreg:$0xd]  }
0x5a: {  	[spmem:s13], [sflag:s0] =	dma.local @!p0 [hbm:s11], $0x100  }
0x5b: {  	s0 =	simm.s32 @!p0 $0x11  }
0x5c: {  	_ =	swait.ge @!p0 [sflag:s0], $0x100  }
0x5d: {  	[sflag:s0] =	ssyncset.done @!p0 $0x0  }
0x5e: {  	[sflag:s0] =	ssyncadd.s32 @!p0 $0xFFFFFF00  }
0x5f: {  	s13 =	simm.s32 $0x13AD8;
	s0 =	simm.s32 $0x0;
	[bflag:$0x0] =	sbarrier.arrive $0xFFFF  }
.LBB2_2:
0x60: {  	_ =	swait.ge [sflag:s1], $0x1400  }
0x61: {  	[sflag:s1] =	ssyncset.done $0x0;
	s11 =	rddreg [dreg:$0xb]  }
0x62: {  	[sflag:s1] =	ssyncadd.s32 $0xFFFFEC00;
	s25 =	sadd.s32 s0, s11  }
0x63: {  	[hbm4b:s25+s4] =	stream.linear.scatter [tilespmem:s15], [sflag:$0x9], $0x1400, $0x38;
	v63 =	vld [tilespmem:$0x0]  }
0x64: {  	_ =	swait.ge [sflag:s16], $0x1400  }
0x65: {  	[sflag:s16] =	ssyncset.done $0x0  }
0x66: {  	s11 =	sadd.s32 $0x280, s25;
	[sflag:s16] =	ssyncadd.s32 $0xFFFFEC00  }
0x67: {  	[hbm4b:s11+s4] =	stream.linear.scatter [tilespmem:s17], [sflag:$0xA], $0x1400, $0x38;
	v63 =	vld [tilespmem:$0x0]  }
0x68: {  	_ =	swait.ge [sflag:s18], $0x1400  }
0x69: {  	[sflag:s18] =	ssyncset.done $0x0  }
0x6a: {  	s11 =	sadd.s32 $0x500, s25;
	[sflag:s18] =	ssyncadd.s32 $0xFFFFEC00  }
0x6b: {  	[hbm4b:s11+s4] =	stream.linear.scatter [tilespmem:s19], [sflag:$0xB], $0x1400, $0x38;
	v63 =	vld [tilespmem:$0x0]  }
0x6c: {  	_ =	swait.ge [sflag:s20], $0x1400  }
0x6d: {  	[sflag:s20] =	ssyncset.done $0x0  }
0x6e: {  	s11 =	sadd.s32 $0x780, s25;
	[sflag:s20] =	ssyncadd.s32 $0xFFFFEC00  }
0x6f: {  	[hbm4b:s11+s4] =	stream.linear.scatter [tilespmem:s21], [sflag:$0xC], $0x1400, $0x38;
	v63 =	vld [tilespmem:$0x0]  }
0x70: {  	_ =	swait.ge [sflag:s22], $0x1400  }
0x71: {  	[sflag:s22] =	ssyncset.done $0x0  }
0x72: {  	s11 =	sadd.s32 $0xA00, s25;
	[sflag:s22] =	ssyncadd.s32 $0xFFFFEC00  }
0x73: {  	[hbm4b:s11+s4] =	stream.linear.scatter [tilespmem:s23], [sflag:$0xD], $0x1400, $0x38;
	v63 =	vld [tilespmem:$0x0]  }
0x74: {  	_ =	swait.ge [sflag:s26], $0x1400  }
0x75: {  	[sflag:s26] =	ssyncset.done $0x0  }
0x76: {  	s11 =	sadd.s32 $0xC80, s25;
	[sflag:s26] =	ssyncadd.s32 $0xFFFFEC00  }
0x77: {  	[hbm4b:s11+s4] =	stream.linear.scatter [tilespmem:s28], [sflag:$0xE], $0x1400, $0x38;
	v63 =	vld [tilespmem:$0x0]  }
0x78: {  	_ =	swait.ge [sflag:s29], $0x1400  }
0x79: {  	[sflag:s29] =	ssyncset.done $0x0  }
0x7a: {  	s11 =	sadd.s32 $0xF00, s25;
	[sflag:s29] =	ssyncadd.s32 $0xFFFFEC00  }
0x7b: {  	[hbm4b:s11+s4] =	stream.linear.scatter [tilespmem:s30], [sflag:$0xF], $0x1400, $0x38;
	v63 =	vld [tilespmem:$0x0]  }
0x7c: {  	_ =	swait.ge [sflag:s31], $0x1400  }
0x7d: {  	[sflag:s31] =	ssyncset.done $0x0  }
0x7e: {  	s25 =	sadd.s32 $0x1180, s25;
	[sflag:s31] =	ssyncadd.s32 $0xFFFFEC00  }
0x7f: {  	[hbm4b:s25+s4] =	stream.linear.scatter [tilespmem:s2], [sflag:$0x10], $0x1400, $0x38;
	v63 =	vld [tilespmem:$0x0]  }
0x80: {  	_ =	swait.ge [sflag:s5], $0x1400  }
0x81: {  	[sflag:s5] =	ssyncset.done $0x0  }
0x82: {  	s25 =	sadd.s32 $0xFFFFFEE8, s13;
	[sflag:s5] =	ssyncadd.s32 $0xFFFFEC00  }
0x83: {  	[tilespmem:s15], [sflag:$0x1] =	stream.indirect.gather [spmem:s3], $0x80, s25, s14, $0xb8;
	v63 =	vld [tilespmem:$0x0]  }
0x84: {  	_ =	swait.ge [sflag:s6], $0x1400  }
0x85: {  	p1 =	seq.s32 s0, $0x25800;
	[sflag:s6] =	ssyncset.done $0x0  }
.Ltmp2:
0x86: {  	s25 =	sadd.s32 $0xFFFFFF10, s13;
	[sflag:s6] =	ssyncadd.s32 $0xFFFFEC00;
	(pc) =	sbr.rel @p1 .LBB2_4-.Ltmp2, $4  }
0x87: {  	[tilespmem:s17], [sflag:$0x2] =	stream.indirect.gather [spmem:s3], $0x80, s25, s14, $0xb8;
	v63 =	vld [tilespmem:$0x0]  }
0x88: {  	_ =	swait.ge [sflag:s7], $0x1400  }
0x89: {  	[sflag:s7] =	ssyncset.done $0x0  }
0x8a: {  	[sflag:s7] =	ssyncadd.s32 $0xFFFFEC00  }
0x8b: {  	s11 =	sadd.s32 $0xFFFFFF38, s13  }
0x8c: {  	[tilespmem:s19], [sflag:$0x3] =	stream.indirect.gather [spmem:s3], $0x80, s11, s14, $0xb8;
	v63 =	vld [tilespmem:$0x0]  }
0x8d: {  	_ =	swait.ge [sflag:s8], $0x1400  }
0x8e: {  	[sflag:s8] =	ssyncset.done $0x0  }
0x8f: {  	s25 =	sadd.s32 $0xFFFFFF60, s13;
	[sflag:s8] =	ssyncadd.s32 $0xFFFFEC00  }
0x90: {  	[tilespmem:s21], [sflag:$0x4] =	stream.indirect.gather [spmem:s3], $0x80, s25, s14, $0xb8;
	v63 =	vld [tilespmem:$0x0]  }
0x91: {  	_ =	swait.ge [sflag:s9], $0x1400  }
0x92: {  	[sflag:s9] =	ssyncset.done $0x0  }
0x93: {  	s25 =	sadd.s32 $0xFFFFFF88, s13;
	[sflag:s9] =	ssyncadd.s32 $0xFFFFEC00  }
0x94: {  	[tilespmem:s23], [sflag:$0x5] =	stream.indirect.gather [spmem:s3], $0x80, s25, s14, $0xb8;
	v63 =	vld [tilespmem:$0x0]  }
0x95: {  	_ =	swait.ge [sflag:s10], $0x1400  }
0x96: {  	[sflag:s10] =	ssyncset.done $0x0  }
0x97: {  	s25 =	sadd.s32 $0xFFFFFFB0, s13;
	[sflag:s10] =	ssyncadd.s32 $0xFFFFEC00  }
0x98: {  	[tilespmem:s28], [sflag:$0x6] =	stream.indirect.gather [spmem:s3], $0x80, s25, s14, $0xb8;
	v63 =	vld [tilespmem:$0x0]  }
0x99: {  	_ =	swait.ge [sflag:s12], $0x1400  }
0x9a: {  	[sflag:s12] =	ssyncset.done $0x0  }
0x9b: {  	s25 =	sadd.s32 $0xFFFFFFD8, s13;
	[sflag:s12] =	ssyncadd.s32 $0xFFFFEC00  }
0x9c: {  	[tilespmem:s30], [sflag:$0x7] =	stream.indirect.gather [spmem:s3], $0x80, s25, s14, $0xb8;
	v63 =	vld [tilespmem:$0x0]  }
.Ltmp3:
0x9d: {  	_ =	swait.ge [sflag:s24], $0x1400;
	(pc) =	sbr.rel .LBB2_2-.Ltmp3, $4  }
0x9e: {  	[sflag:s24] =	ssyncset.done $0x0  }
0x9f: {  	[sflag:s24] =	ssyncadd.s32 $0xFFFFEC00  }
0xa0: {  	[tilespmem:s2], [sflag:$0x8] =	stream.indirect.gather [spmem:s3], $0x80, s13, s14, $0xb8;
	v63 =	vld [tilespmem:$0x0]  }
0xa1: {  	s0 =	sadd.s32 $0x1400, s0;
	s13 =	sadd.s32 $0x140, s13  }
.LBB2_5:
0xa2: {  	_ =	sfence.sel $0x180000  }
0xa3: {  	[bflag:$0x0] =	sbarrier.arrive $0xFFFF  }
0xa4: {  	_ =	strace $0x90000047  }
0xa5: {  	[bflag:$0x2] =	sbarrier.arrive $0xFFFF  }
0xa6: {  	s0 =	rddreg [dreg:$0x4]  }
0xa7: {  	s0 =	sadd.s32 @!p0 $0x100000, s0  }
0xa8: {  	[sflag:s0] =	ssyncadd.tile.s32 @!p0 $0x1;
	_ =	shalt  }
.Lfunc_end2:
_tile_overlayer_lowered:
.L_overlay_start_2:
0xa9: {  	(tag) =	ssettag $0x2  }
0xaa: {  	s0 =	rddreg [dreg:$0x0];
	s2 =	stileid.u32  }
0xab: {  	s1 =	rddreg [dreg:$0x1];
	p0 =	sne.s32 s2, $0x0  }
0xac: {  	s3 =	rddreg [dreg:$0x2];
	[bflag:$0x3] =	sbarrier.arrive $0xFFFF;
	s2 =	simm.s32 @!p0 $0x1C11  }
0xad: {  	[timem:s3], [sflag:s2] =	dma.local @!p0 [hbm:s0], s1  }
0xae: {  	s0 =	simm.s32 @!p0 $0x11  }
0xaf: {  	_ =	swait.ge @!p0 [sflag:s0], s1  }
0xb0: {  	s1 =	ssub.s32 @!p0 $0x0, s1;
	[sflag:s0] =	ssyncset.done @!p0 $0x0  }
0xb1: {  	[sflag:s0] =	ssyncadd.s32 @!p0 s1  }
0xb2: {  	[bflag:$0x3] =	sbarrier.arrive $0xFFFF  }
0xb3: {  	_ =	shalt  }

</sc_bundles>
